<compile_context>
chip_gen: v7x
topology: tpu7x:2x2x1
jax: 0.10.2.dev20260603
libtpu: 0.0.44.dev20260713+nightly
codegen_flags: <defaults>
</compile_context>

<pallas_src>
import functools

import jax
import jax.numpy as jnp
from jax import lax
from jax.experimental import pallas as pl
from jax.experimental.pallas import tpu as pltpu
from jax.experimental.pallas import tpu_sc as plsc

_F = 26
_VS = 100000
_D = 32
_B = 16384
_R = _B * _F
_NC = 2
_NS = 16
_NW = _NC * _NS
_RPW = _R // _NW
_CR = 128
_G = _RPW // _CR
_NB = 8


@functools.partial(
    pl.kernel,
    out_type=jax.ShapeDtypeStruct((_R, _D), jnp.float32),
    mesh=plsc.VectorSubcoreMesh(core_axis_name="c", subcore_axis_name="s"),
    scratch_types=[
        pltpu.VMEM((_RPW,), jnp.int32),
        pltpu.VMEM((_G, _CR), jnp.int32),
        pltpu.VMEM((_NB, _CR, _D), jnp.float32),
    ] + [pltpu.SemaphoreType.DMA] * 16,
    compiler_params=pltpu.CompilerParams(use_tc_tiling_on_sc=False),
)
def _emb_gather(x_hbm, tab_hbm, out_hbm, idx_a, idx_v, rows_v, *sems):
    gsems = sems[:_NB]
    wsems = sems[_NB:]
    wid = lax.axis_index("s") * _NC + lax.axis_index("c")
    base = wid * _RPW
    pltpu.sync_copy(x_hbm.at[pl.ds(base, _RPW)], idx_a)

    def addoff(g, carry):
        for k in range(_CR // 16):
            j = g * _CR + k * 16
            p = lax.iota(jnp.int32, 16) + j
            f = lax.rem(p, _F)
            idx_v[g, pl.ds(k * 16, 16)] = idx_a[pl.ds(j, 16)] + f * _VS
        return carry

    lax.fori_loop(0, _G, addoff, 0)

    def gather(g, b):
        return pltpu.make_async_copy(
            tab_hbm.at[0].at[idx_v.at[g]], rows_v.at[b], gsems[b]
        )

    def write(g, b):
        return pltpu.make_async_copy(
            rows_v.at[b], out_hbm.at[pl.ds(base + g * _CR, _CR)], wsems[b]
        )

    for b in range(_NB):
        gather(b, b).start()

    def body(i, carry):
        for b in range(_NB):
            g = i * _NB + b
            gather(g, b).wait()
            write(g, b).start()
        for b in range(_NB):
            g = i * _NB + b
            write(g, b).wait()

            @pl.when(g + _NB < _G)
            def _fire(g=g, b=b):
                gather(g + _NB, b).start()

        return carry

    lax.fori_loop(0, _G // _NB, body, 0)


def kernel(x, tables):
    x1 = x.reshape(_R)
    tab3 = tables[:, :_VS, :]
    return _emb_gather(x1, tab3).reshape(_B, _F * _D)

# --- scband reference (transcript-rebuilt; emitter-appended) ---
"""Pipeline reference for scband-learned-entity-embedding-55911884259473 (READ-ONLY COPY).

The authoritative reference and input builder live on the scoring server;
editing this copy changes nothing except your own understanding.
"""

import jax, jax.numpy as jnp
import numpy as np

NUM_FIELDS = 26
VOCAB = 100000
EMB_DIM = 32  # int(1.0 * max(2, min(32, 1.6 * 100000**0.56)))
BATCH = 16384


def setup_inputs(seed: int = 0) -> dict:
    key = jax.random.key(seed)
    k1, k2 = jax.random.split(key)
    x = jax.random.randint(k1, (BATCH, NUM_FIELDS), 0, VOCAB, dtype=jnp.int32)
    # one nn.Embedding(num_cat + 1, num_out) per field; all fields share the same
    # (VOCAB+1, EMB_DIM) shape so we stack them into a single array of tables.
    tables = jax.random.normal(k2, (NUM_FIELDS, VOCAB + 1, EMB_DIM), dtype=jnp.float32) * 0.01
    return {"x": x, "tables": tables}


def reference(x, tables):
    # Faithful translation of _LearnedEntityEmbedding.forward: every column is an
    # embed feature (num_categories >= 2 for all), so each column is looked up in
    # its own embedding table and the results are concatenated along dim 1.
    concat_seq = []
    for i in range(NUM_FIELDS):
        idx = x[:, i]
        concat_seq.append(jnp.take(tables[i], idx, axis=0))
    return jnp.concatenate(concat_seq, axis=1)

if __name__ == "__main__":
    import jax
    _d = setup_inputs()
    print(jax.jit(kernel)(*tuple(_d.values())))

</pallas_src>

<mosaic_0001>
#map = affine_map<(d0, d1) -> (0)>
#map1 = affine_map<(d0, d1) -> (0, 0, 0)>
#map2 = affine_map<(d0, d1) -> (0, 0)>
module attributes {stable_mosaic.version = 14 : i64} {
  func.func @_emb_gather(%arg0: i32, %arg1: i32, %arg2: memref<425984xi32, #tpu.memory_space<hbm>>, %arg3: memref<26x100000x32xf32, #tpu.memory_space<hbm>>, %arg4: memref<425984x32xf32, #tpu.memory_space<hbm>>, %arg5: memref<13312xi32, #tpu.memory_space<vmem>>, %arg6: memref<104x128xi32, #tpu.memory_space<vmem>>, %arg7: memref<8x128x32xf32, #tpu.memory_space<vmem>>, %arg8: memref<!tpu.dma_semaphore, #tpu.memory_space<semaphore_mem>>, %arg9: memref<!tpu.dma_semaphore, #tpu.memory_space<semaphore_mem>>, %arg10: memref<!tpu.dma_semaphore, #tpu.memory_space<semaphore_mem>>, %arg11: memref<!tpu.dma_semaphore, #tpu.memory_space<semaphore_mem>>, %arg12: memref<!tpu.dma_semaphore, #tpu.memory_space<semaphore_mem>>, %arg13: memref<!tpu.dma_semaphore, #tpu.memory_space<semaphore_mem>>, %arg14: memref<!tpu.dma_semaphore, #tpu.memory_space<semaphore_mem>>, %arg15: memref<!tpu.dma_semaphore, #tpu.memory_space<semaphore_mem>>, %arg16: memref<!tpu.dma_semaphore, #tpu.memory_space<semaphore_mem>>, %arg17: memref<!tpu.dma_semaphore, #tpu.memory_space<semaphore_mem>>, %arg18: memref<!tpu.dma_semaphore, #tpu.memory_space<semaphore_mem>>, %arg19: memref<!tpu.dma_semaphore, #tpu.memory_space<semaphore_mem>>, %arg20: memref<!tpu.dma_semaphore, #tpu.memory_space<semaphore_mem>>, %arg21: memref<!tpu.dma_semaphore, #tpu.memory_space<semaphore_mem>>, %arg22: memref<!tpu.dma_semaphore, #tpu.memory_space<semaphore_mem>>, %arg23: memref<!tpu.dma_semaphore, #tpu.memory_space<semaphore_mem>>) attributes {dimension_semantics = [#tpu.dimension_semantics<core_parallel>, #tpu.dimension_semantics<subcore_parallel>], iteration_bounds = array<i64: 2, 16>, scalar_prefetch = 0 : i64, scratch_operands = 19 : i64, tpu.core_type = #tpu.core_type<sc_vector_subcore>, window_params = [{transform_indices = #map}, {transform_indices = #map1}, {transform_indices = #map2}]} {
    %mul3A = arith.constant 2 : i32
    %mul3A_0 = arith.muli %arg1, %mul3A : i32
    %add3A = arith.addi %mul3A_0, %arg0 : i32
    %mul3A_1 = arith.constant 13312 : i32
    %mul3A_2 = arith.muli %add3A, %mul3A_1 : i32
    "tpu.region"() ({
      %run_scoped3A = tpu.sem_alloc : memref<!tpu.dma_semaphore, #tpu.memory_space<semaphore_mem>>
      %dma_start3A_149 = tpu.memref_slice %arg2[%mul3A_2] : memref<425984xi32, #tpu.memory_space<hbm>> -> memref<13312xi32, #tpu.memory_space<hbm>>
      %dma_start3A_150 = tpu.memref_slice %arg2[%mul3A_2] : memref<425984xi32, #tpu.memory_space<hbm>> -> memref<13312xi32, #tpu.memory_space<hbm>>
      tpu.enqueue_dma source(%dma_start3A_150 : memref<13312xi32, #tpu.memory_space<hbm>>) target(%arg5 : memref<13312xi32, #tpu.memory_space<vmem>>) target_semaphore(%run_scoped3A : memref<!tpu.dma_semaphore, #tpu.memory_space<semaphore_mem>>)
      %dma_wait3A = tpu.memref_slice %arg2[%mul3A_2] : memref<425984xi32, #tpu.memory_space<hbm>> -> memref<13312xi32, #tpu.memory_space<hbm>>
      %dma_wait3A_151 = tpu.memref_slice %arg2[%mul3A_2] : memref<425984xi32, #tpu.memory_space<hbm>> -> memref<13312xi32, #tpu.memory_space<hbm>>
      tpu.wait_dma2 semaphore(%run_scoped3A : memref<!tpu.dma_semaphore, #tpu.memory_space<semaphore_mem>>) src(%dma_wait3A_151 : memref<13312xi32, #tpu.memory_space<hbm>>) dst(%arg5 : memref<13312xi32, #tpu.memory_space<vmem>>)
      tpu.yield
    }) : () -> ()
    %scan3A = arith.constant 0 : i32
    %scan3A_3 = arith.constant 0 : i32
    %scan3A_4 = arith.constant 104 : i32
    %scan3A_5 = arith.addi %scan3A_3, %scan3A_4 : i32
    %scan3A_6 = arith.constant 1 : i32
    scf.for %scan3A_149 = %scan3A_3 to %scan3A_5 step %scan3A_6  : i32 {
      %mul3A_150 = arith.constant 128 : i32
      %mul3A_151 = arith.muli %scan3A_149, %mul3A_150 : i32
      %add3A_152 = arith.constant 0 : i32
      %add3A_153 = arith.addi %mul3A_151, %add3A_152 : i32
      %iota3A = tpu.iota {dimensions = array<i32: 0>} : vector<16xi32>
      %add3A_154 = vector.broadcast %add3A_153 : i32 to vector<16xi32>
      %add3A_155 = arith.addi %iota3A, %add3A_154 : vector<16xi32>
      %rem3A = arith.constant 26 : i32
      %rem3A_156 = vector.broadcast %rem3A : i32 to vector<16xi32>
      %rem3A_157 = arith.remsi %add3A_155, %rem3A_156 : vector<16xi32>
      %get3A = arith.index_cast %add3A_153 : i32 to index
      %get3A_158 = tpu.vector_load %arg5[%get3A] {strides = array<i32>} : memref<13312xi32, #tpu.memory_space<vmem>>, vector<16xi32>,
      %get3A_159 = vector.shape_cast %get3A_158 : vector<16xi32> to vector<16xi32>
      %mul3A_160 = arith.constant 100000 : i32
      %mul3A_161 = vector.broadcast %mul3A_160 : i32 to vector<16xi32>
      %mul3A_162 = arith.muli %rem3A_157, %mul3A_161 : vector<16xi32>
      %add3A_163 = arith.addi %get3A_159, %mul3A_162 : vector<16xi32>
      %swap3A = arith.index_cast %scan3A_149 : i32 to index
      %swap3A_164 = arith.constant 0 : index
      %swap3A_165 = tpu.vector_load %arg6[%swap3A, %swap3A_164] {strides = array<i32>} : memref<104x128xi32, #tpu.memory_space<vmem>>, vector<1x16xi32>,
      %swap3A_166 = vector.shape_cast %swap3A_165 : vector<1x16xi32> to vector<16xi32>
      %swap3A_167 = vector.shape_cast %add3A_163 : vector<16xi32> to vector<1x16xi32>
      tpu.vector_store %arg6[%swap3A, %swap3A_164], %swap3A_167 {strides = array<i32>} : memref<104x128xi32, #tpu.memory_space<vmem>>, vector<1x16xi32>,
      %mul3A_168 = arith.constant 128 : i32
      %mul3A_169 = arith.muli %scan3A_149, %mul3A_168 : i32
      %add3A_170 = arith.constant 16 : i32
      %add3A_171 = arith.addi %mul3A_169, %add3A_170 : i32
      %iota3A_172 = tpu.iota {dimensions = array<i32: 0>} : vector<16xi32>
      %add3A_173 = vector.broadcast %add3A_171 : i32 to vector<16xi32>
      %add3A_174 = arith.addi %iota3A_172, %add3A_173 : vector<16xi32>
      %rem3A_175 = arith.constant 26 : i32
      %rem3A_176 = vector.broadcast %rem3A_175 : i32 to vector<16xi32>
      %rem3A_177 = arith.remsi %add3A_174, %rem3A_176 : vector<16xi32>
      %get3A_178 = arith.index_cast %add3A_171 : i32 to index
      %get3A_179 = tpu.vector_load %arg5[%get3A_178] {strides = array<i32>} : memref<13312xi32, #tpu.memory_space<vmem>>, vector<16xi32>,
      %get3A_180 = vector.shape_cast %get3A_179 : vector<16xi32> to vector<16xi32>
      %mul3A_181 = arith.constant 100000 : i32
      %mul3A_182 = vector.broadcast %mul3A_181 : i32 to vector<16xi32>
      %mul3A_183 = arith.muli %rem3A_177, %mul3A_182 : vector<16xi32>
      %add3A_184 = arith.addi %get3A_180, %mul3A_183 : vector<16xi32>
      %swap3A_185 = arith.index_cast %scan3A_149 : i32 to index
      %swap3A_186 = arith.constant 16 : index
      %swap3A_187 = tpu.vector_load %arg6[%swap3A_185, %swap3A_186] {strides = array<i32>} : memref<104x128xi32, #tpu.memory_space<vmem>>, vector<1x16xi32>,
      %swap3A_188 = vector.shape_cast %swap3A_187 : vector<1x16xi32> to vector<16xi32>
      %swap3A_189 = vector.shape_cast %add3A_184 : vector<16xi32> to vector<1x16xi32>
      tpu.vector_store %arg6[%swap3A_185, %swap3A_186], %swap3A_189 {strides = array<i32>} : memref<104x128xi32, #tpu.memory_space<vmem>>, vector<1x16xi32>,
      %mul3A_190 = arith.constant 128 : i32
      %mul3A_191 = arith.muli %scan3A_149, %mul3A_190 : i32
      %add3A_192 = arith.constant 32 : i32
      %add3A_193 = arith.addi %mul3A_191, %add3A_192 : i32
      %iota3A_194 = tpu.iota {dimensions = array<i32: 0>} : vector<16xi32>
      %add3A_195 = vector.broadcast %add3A_193 : i32 to vector<16xi32>
      %add3A_196 = arith.addi %iota3A_194, %add3A_195 : vector<16xi32>
      %rem3A_197 = arith.constant 26 : i32
      %rem3A_198 = vector.broadcast %rem3A_197 : i32 to vector<16xi32>
      %rem3A_199 = arith.remsi %add3A_196, %rem3A_198 : vector<16xi32>
      %get3A_200 = arith.index_cast %add3A_193 : i32 to index
      %get3A_201 = tpu.vector_load %arg5[%get3A_200] {strides = array<i32>} : memref<13312xi32, #tpu.memory_space<vmem>>, vector<16xi32>,
      %get3A_202 = vector.shape_cast %get3A_201 : vector<16xi32> to vector<16xi32>
      %mul3A_203 = arith.constant 100000 : i32
      %mul3A_204 = vector.broadcast %mul3A_203 : i32 to vector<16xi32>
      %mul3A_205 = arith.muli %rem3A_199, %mul3A_204 : vector<16xi32>
      %add3A_206 = arith.addi %get3A_202, %mul3A_205 : vector<16xi32>
      %swap3A_207 = arith.index_cast %scan3A_149 : i32 to index
      %swap3A_208 = arith.constant 32 : index
      %swap3A_209 = tpu.vector_load %arg6[%swap3A_207, %swap3A_208] {strides = array<i32>} : memref<104x128xi32, #tpu.memory_space<vmem>>, vector<1x16xi32>,
      %swap3A_210 = vector.shape_cast %swap3A_209 : vector<1x16xi32> to vector<16xi32>
      %swap3A_211 = vector.shape_cast %add3A_206 : vector<16xi32> to vector<1x16xi32>
      tpu.vector_store %arg6[%swap3A_207, %swap3A_208], %swap3A_211 {strides = array<i32>} : memref<104x128xi32, #tpu.memory_space<vmem>>, vector<1x16xi32>,
      %mul3A_212 = arith.constant 128 : i32
      %mul3A_213 = arith.muli %scan3A_149, %mul3A_212 : i32
      %add3A_214 = arith.constant 48 : i32
      %add3A_215 = arith.addi %mul3A_213, %add3A_214 : i32
      %iota3A_216 = tpu.iota {dimensions = array<i32: 0>} : vector<16xi32>
      %add3A_217 = vector.broadcast %add3A_215 : i32 to vector<16xi32>
      %add3A_218 = arith.addi %iota3A_216, %add3A_217 : vector<16xi32>
      %rem3A_219 = arith.constant 26 : i32
      %rem3A_220 = vector.broadcast %rem3A_219 : i32 to vector<16xi32>
      %rem3A_221 = arith.remsi %add3A_218, %rem3A_220 : vector<16xi32>
      %get3A_222 = arith.index_cast %add3A_215 : i32 to index
      %get3A_223 = tpu.vector_load %arg5[%get3A_222] {strides = array<i32>} : memref<13312xi32, #tpu.memory_space<vmem>>, vector<16xi32>,
      %get3A_224 = vector.shape_cast %get3A_223 : vector<16xi32> to vector<16xi32>
      %mul3A_225 = arith.constant 100000 : i32
      %mul3A_226 = vector.broadcast %mul3A_225 : i32 to vector<16xi32>
      %mul3A_227 = arith.muli %rem3A_221, %mul3A_226 : vector<16xi32>
      %add3A_228 = arith.addi %get3A_224, %mul3A_227 : vector<16xi32>
      %swap3A_229 = arith.index_cast %scan3A_149 : i32 to index
      %swap3A_230 = arith.constant 48 : index
      %swap3A_231 = tpu.vector_load %arg6[%swap3A_229, %swap3A_230] {strides = array<i32>} : memref<104x128xi32, #tpu.memory_space<vmem>>, vector<1x16xi32>,
      %swap3A_232 = vector.shape_cast %swap3A_231 : vector<1x16xi32> to vector<16xi32>
      %swap3A_233 = vector.shape_cast %add3A_228 : vector<16xi32> to vector<1x16xi32>
      tpu.vector_store %arg6[%swap3A_229, %swap3A_230], %swap3A_233 {strides = array<i32>} : memref<104x128xi32, #tpu.memory_space<vmem>>, vector<1x16xi32>,
      %mul3A_234 = arith.constant 128 : i32
      %mul3A_235 = arith.muli %scan3A_149, %mul3A_234 : i32
      %add3A_236 = arith.constant 64 : i32
      %add3A_237 = arith.addi %mul3A_235, %add3A_236 : i32
      %iota3A_238 = tpu.iota {dimensions = array<i32: 0>} : vector<16xi32>
      %add3A_239 = vector.broadcast %add3A_237 : i32 to vector<16xi32>
      %add3A_240 = arith.addi %iota3A_238, %add3A_239 : vector<16xi32>
      %rem3A_241 = arith.constant 26 : i32
      %rem3A_242 = vector.broadcast %rem3A_241 : i32 to vector<16xi32>
      %rem3A_243 = arith.remsi %add3A_240, %rem3A_242 : vector<16xi32>
      %get3A_244 = arith.index_cast %add3A_237 : i32 to index
      %get3A_245 = tpu.vector_load %arg5[%get3A_244] {strides = array<i32>} : memref<13312xi32, #tpu.memory_space<vmem>>, vector<16xi32>,
      %get3A_246 = vector.shape_cast %get3A_245 : vector<16xi32> to vector<16xi32>
      %mul3A_247 = arith.constant 100000 : i32
      %mul3A_248 = vector.broadcast %mul3A_247 : i32 to vector<16xi32>
      %mul3A_249 = arith.muli %rem3A_243, %mul3A_248 : vector<16xi32>
      %add3A_250 = arith.addi %get3A_246, %mul3A_249 : vector<16xi32>
      %swap3A_251 = arith.index_cast %scan3A_149 : i32 to index
      %swap3A_252 = arith.constant 64 : index
      %swap3A_253 = tpu.vector_load %arg6[%swap3A_251, %swap3A_252] {strides = array<i32>} : memref<104x128xi32, #tpu.memory_space<vmem>>, vector<1x16xi32>,
      %swap3A_254 = vector.shape_cast %swap3A_253 : vector<1x16xi32> to vector<16xi32>
      %swap3A_255 = vector.shape_cast %add3A_250 : vector<16xi32> to vector<1x16xi32>
      tpu.vector_store %arg6[%swap3A_251, %swap3A_252], %swap3A_255 {strides = array<i32>} : memref<104x128xi32, #tpu.memory_space<vmem>>, vector<1x16xi32>,
      %mul3A_256 = arith.constant 128 : i32
      %mul3A_257 = arith.muli %scan3A_149, %mul3A_256 : i32
      %add3A_258 = arith.constant 80 : i32
      %add3A_259 = arith.addi %mul3A_257, %add3A_258 : i32
      %iota3A_260 = tpu.iota {dimensions = array<i32: 0>} : vector<16xi32>
      %add3A_261 = vector.broadcast %add3A_259 : i32 to vector<16xi32>
      %add3A_262 = arith.addi %iota3A_260, %add3A_261 : vector<16xi32>
      %rem3A_263 = arith.constant 26 : i32
      %rem3A_264 = vector.broadcast %rem3A_263 : i32 to vector<16xi32>
      %rem3A_265 = arith.remsi %add3A_262, %rem3A_264 : vector<16xi32>
      %get3A_266 = arith.index_cast %add3A_259 : i32 to index
      %get3A_267 = tpu.vector_load %arg5[%get3A_266] {strides = array<i32>} : memref<13312xi32, #tpu.memory_space<vmem>>, vector<16xi32>,
      %get3A_268 = vector.shape_cast %get3A_267 : vector<16xi32> to vector<16xi32>
      %mul3A_269 = arith.constant 100000 : i32
      %mul3A_270 = vector.broadcast %mul3A_269 : i32 to vector<16xi32>
      %mul3A_271 = arith.muli %rem3A_265, %mul3A_270 : vector<16xi32>
      %add3A_272 = arith.addi %get3A_268, %mul3A_271 : vector<16xi32>
      %swap3A_273 = arith.index_cast %scan3A_149 : i32 to index
      %swap3A_274 = arith.constant 80 : index
      %swap3A_275 = tpu.vector_load %arg6[%swap3A_273, %swap3A_274] {strides = array<i32>} : memref<104x128xi32, #tpu.memory_space<vmem>>, vector<1x16xi32>,
      %swap3A_276 = vector.shape_cast %swap3A_275 : vector<1x16xi32> to vector<16xi32>
      %swap3A_277 = vector.shape_cast %add3A_272 : vector<16xi32> to vector<1x16xi32>
      tpu.vector_store %arg6[%swap3A_273, %swap3A_274], %swap3A_277 {strides = array<i32>} : memref<104x128xi32, #tpu.memory_space<vmem>>, vector<1x16xi32>,
      %mul3A_278 = arith.constant 128 : i32
      %mul3A_279 = arith.muli %scan3A_149, %mul3A_278 : i32
      %add3A_280 = arith.constant 96 : i32
      %add3A_281 = arith.addi %mul3A_279, %add3A_280 : i32
      %iota3A_282 = tpu.iota {dimensions = array<i32: 0>} : vector<16xi32>
      %add3A_283 = vector.broadcast %add3A_281 : i32 to vector<16xi32>
      %add3A_284 = arith.addi %iota3A_282, %add3A_283 : vector<16xi32>
      %rem3A_285 = arith.constant 26 : i32
      %rem3A_286 = vector.broadcast %rem3A_285 : i32 to vector<16xi32>
      %rem3A_287 = arith.remsi %add3A_284, %rem3A_286 : vector<16xi32>
      %get3A_288 = arith.index_cast %add3A_281 : i32 to index
      %get3A_289 = tpu.vector_load %arg5[%get3A_288] {strides = array<i32>} : memref<13312xi32, #tpu.memory_space<vmem>>, vector<16xi32>,
      %get3A_290 = vector.shape_cast %get3A_289 : vector<16xi32> to vector<16xi32>
      %mul3A_291 = arith.constant 100000 : i32
      %mul3A_292 = vector.broadcast %mul3A_291 : i32 to vector<16xi32>
      %mul3A_293 = arith.muli %rem3A_287, %mul3A_292 : vector<16xi32>
      %add3A_294 = arith.addi %get3A_290, %mul3A_293 : vector<16xi32>
      %swap3A_295 = arith.index_cast %scan3A_149 : i32 to index
      %swap3A_296 = arith.constant 96 : index
      %swap3A_297 = tpu.vector_load %arg6[%swap3A_295, %swap3A_296] {strides = array<i32>} : memref<104x128xi32, #tpu.memory_space<vmem>>, vector<1x16xi32>,
      %swap3A_298 = vector.shape_cast %swap3A_297 : vector<1x16xi32> to vector<16xi32>
      %swap3A_299 = vector.shape_cast %add3A_294 : vector<16xi32> to vector<1x16xi32>
      tpu.vector_store %arg6[%swap3A_295, %swap3A_296], %swap3A_299 {strides = array<i32>} : memref<104x128xi32, #tpu.memory_space<vmem>>, vector<1x16xi32>,
      %mul3A_300 = arith.constant 128 : i32
      %mul3A_301 = arith.muli %scan3A_149, %mul3A_300 : i32
      %add3A_302 = arith.constant 112 : i32
      %add3A_303 = arith.addi %mul3A_301, %add3A_302 : i32
      %iota3A_304 = tpu.iota {dimensions = array<i32: 0>} : vector<16xi32>
      %add3A_305 = vector.broadcast %add3A_303 : i32 to vector<16xi32>
      %add3A_306 = arith.addi %iota3A_304, %add3A_305 : vector<16xi32>
      %rem3A_307 = arith.constant 26 : i32
      %rem3A_308 = vector.broadcast %rem3A_307 : i32 to vector<16xi32>
      %rem3A_309 = arith.remsi %add3A_306, %rem3A_308 : vector<16xi32>
      %get3A_310 = arith.index_cast %add3A_303 : i32 to index
      %get3A_311 = tpu.vector_load %arg5[%get3A_310] {strides = array<i32>} : memref<13312xi32, #tpu.memory_space<vmem>>, vector<16xi32>,
      %get3A_312 = vector.shape_cast %get3A_311 : vector<16xi32> to vector<16xi32>
      %mul3A_313 = arith.constant 100000 : i32
      %mul3A_314 = vector.broadcast %mul3A_313 : i32 to vector<16xi32>
      %mul3A_315 = arith.muli %rem3A_309, %mul3A_314 : vector<16xi32>
      %add3A_316 = arith.addi %get3A_312, %mul3A_315 : vector<16xi32>
      %swap3A_317 = arith.index_cast %scan3A_149 : i32 to index
      %swap3A_318 = arith.constant 112 : index
      %swap3A_319 = tpu.vector_load %arg6[%swap3A_317, %swap3A_318] {strides = array<i32>} : memref<104x128xi32, #tpu.memory_space<vmem>>, vector<1x16xi32>,
      %swap3A_320 = vector.shape_cast %swap3A_319 : vector<1x16xi32> to vector<16xi32>
      %swap3A_321 = vector.shape_cast %add3A_316 : vector<16xi32> to vector<1x16xi32>
      tpu.vector_store %arg6[%swap3A_317, %swap3A_318], %swap3A_321 {strides = array<i32>} : memref<104x128xi32, #tpu.memory_space<vmem>>, vector<1x16xi32>,
    }
    %scan3A_7 = arith.constant 104 : i32
    %dma_start3A = arith.constant 0 : i32
    %dma_start3A_8 = arith.constant 0 : i32
    %dma_start3A_9 = arith.constant 0 : i32
    %dma_start3A_10 = arith.constant 0 : i32
    %dma_start3A_11 = arith.constant 0 : i32
    %dma_start3A_12 = tpu.memref_slice %arg7[%dma_start3A_9, %dma_start3A_10, %dma_start3A_11] : memref<8x128x32xf32, #tpu.memory_space<vmem>> -> memref<1x128x32xf32, #tpu.memory_space<vmem>>
    %dma_start3A_13 = tpu.memref_squeeze %dma_start3A_12 : memref<1x128x32xf32, #tpu.memory_space<vmem>> -> memref<128x32xf32, #tpu.memory_space<vmem>>
    %dma_start3A_14 = arith.constant 0 : i32
    %dma_start3A_15 = tpu.memref_slice %arg6[%dma_start3A_8, %dma_start3A_14] : memref<104x128xi32, #tpu.memory_space<vmem>> -> memref<1x128xi32, #tpu.memory_space<vmem>>
    %dma_start3A_16 = tpu.memref_squeeze %dma_start3A_15 : memref<1x128xi32, #tpu.memory_space<vmem>> -> memref<128xi32, #tpu.memory_space<vmem>>
    %dma_start3A_17 = arith.constant 0 : i32
    %dma_start3A_18 = arith.constant 0 : i32
    %dma_start3A_19 = tpu.memref_slice %arg3[%dma_start3A, %dma_start3A_17, %dma_start3A_18] : memref<26x100000x32xf32, #tpu.memory_space<hbm>> -> memref<1x100000x32xf32, #tpu.memory_space<hbm>>
    %dma_start3A_20 = tpu.memref_squeeze %dma_start3A_19 : memref<1x100000x32xf32, #tpu.memory_space<hbm>> -> memref<100000x32xf32, #tpu.memory_space<hbm>>
    %dma_start3A_21 = arith.constant 0 : i32
    %dma_start3A_22 = arith.constant 0 : i32
    %dma_start3A_23 = tpu.memref_slice %dma_start3A_20[%dma_start3A_21, %dma_start3A_22] : memref<100000x32xf32, #tpu.memory_space<hbm>> -> memref<100000x32xf32, #tpu.memory_space<hbm>>
    tpu.enqueue_indirect_dma source(%dma_start3A_23 : memref<100000x32xf32, #tpu.memory_space<hbm>>) target(%dma_start3A_13 : memref<128x32xf32, #tpu.memory_space<vmem>>) offsets(%dma_start3A_16 : memref<128xi32, #tpu.memory_space<vmem>>) semaphore(%arg8 : memref<!tpu.dma_semaphore, #tpu.memory_space<semaphore_mem>>)
    %dma_start3A_24 = arith.constant 0 : i32
    %dma_start3A_25 = arith.constant 1 : i32
    %dma_start3A_26 = arith.constant 1 : i32
    %dma_start3A_27 = arith.constant 0 : i32
    %dma_start3A_28 = arith.constant 0 : i32
    %dma_start3A_29 = tpu.memref_slice %arg7[%dma_start3A_26, %dma_start3A_27, %dma_start3A_28] : memref<8x128x32xf32, #tpu.memory_space<vmem>> -> memref<1x128x32xf32, #tpu.memory_space<vmem>>
    %dma_start3A_30 = tpu.memref_squeeze %dma_start3A_29 : memref<1x128x32xf32, #tpu.memory_space<vmem>> -> memref<128x32xf32, #tpu.memory_space<vmem>>
    %dma_start3A_31 = arith.constant 0 : i32
    %dma_start3A_32 = tpu.memref_slice %arg6[%dma_start3A_25, %dma_start3A_31] : memref<104x128xi32, #tpu.memory_space<vmem>> -> memref<1x128xi32, #tpu.memory_space<vmem>>
    %dma_start3A_33 = tpu.memref_squeeze %dma_start3A_32 : memref<1x128xi32, #tpu.memory_space<vmem>> -> memref<128xi32, #tpu.memory_space<vmem>>
    %dma_start3A_34 = arith.constant 0 : i32
    %dma_start3A_35 = arith.constant 0 : i32
    %dma_start3A_36 = tpu.memref_slice %arg3[%dma_start3A_24, %dma_start3A_34, %dma_start3A_35] : memref<26x100000x32xf32, #tpu.memory_space<hbm>> -> memref<1x100000x32xf32, #tpu.memory_space<hbm>>
    %dma_start3A_37 = tpu.memref_squeeze %dma_start3A_36 : memref<1x100000x32xf32, #tpu.memory_space<hbm>> -> memref<100000x32xf32, #tpu.memory_space<hbm>>
    %dma_start3A_38 = arith.constant 0 : i32
    %dma_start3A_39 = arith.constant 0 : i32
    %dma_start3A_40 = tpu.memref_slice %dma_start3A_37[%dma_start3A_38, %dma_start3A_39] : memref<100000x32xf32, #tpu.memory_space<hbm>> -> memref<100000x32xf32, #tpu.memory_space<hbm>>
    tpu.enqueue_indirect_dma source(%dma_start3A_40 : memref<100000x32xf32, #tpu.memory_space<hbm>>) target(%dma_start3A_30 : memref<128x32xf32, #tpu.memory_space<vmem>>) offsets(%dma_start3A_33 : memref<128xi32, #tpu.memory_space<vmem>>) semaphore(%arg9 : memref<!tpu.dma_semaphore, #tpu.memory_space<semaphore_mem>>)
    %dma_start3A_41 = arith.constant 0 : i32
    %dma_start3A_42 = arith.constant 2 : i32
    %dma_start3A_43 = arith.constant 2 : i32
    %dma_start3A_44 = arith.constant 0 : i32
    %dma_start3A_45 = arith.constant 0 : i32
    %dma_start3A_46 = tpu.memref_slice %arg7[%dma_start3A_43, %dma_start3A_44, %dma_start3A_45] : memref<8x128x32xf32, #tpu.memory_space<vmem>> -> memref<1x128x32xf32, #tpu.memory_space<vmem>>
    %dma_start3A_47 = tpu.memref_squeeze %dma_start3A_46 : memref<1x128x32xf32, #tpu.memory_space<vmem>> -> memref<128x32xf32, #tpu.memory_space<vmem>>
    %dma_start3A_48 = arith.constant 0 : i32
    %dma_start3A_49 = tpu.memref_slice %arg6[%dma_start3A_42, %dma_start3A_48] : memref<104x128xi32, #tpu.memory_space<vmem>> -> memref<1x128xi32, #tpu.memory_space<vmem>>
    %dma_start3A_50 = tpu.memref_squeeze %dma_start3A_49 : memref<1x128xi32, #tpu.memory_space<vmem>> -> memref<128xi32, #tpu.memory_space<vmem>>
    %dma_start3A_51 = arith.constant 0 : i32
    %dma_start3A_52 = arith.constant 0 : i32
    %dma_start3A_53 = tpu.memref_slice %arg3[%dma_start3A_41, %dma_start3A_51, %dma_start3A_52] : memref<26x100000x32xf32, #tpu.memory_space<hbm>> -> memref<1x100000x32xf32, #tpu.memory_space<hbm>>
    %dma_start3A_54 = tpu.memref_squeeze %dma_start3A_53 : memref<1x100000x32xf32, #tpu.memory_space<hbm>> -> memref<100000x32xf32, #tpu.memory_space<hbm>>
    %dma_start3A_55 = arith.constant 0 : i32
    %dma_start3A_56 = arith.constant 0 : i32
    %dma_start3A_57 = tpu.memref_slice %dma_start3A_54[%dma_start3A_55, %dma_start3A_56] : memref<100000x32xf32, #tpu.memory_space<hbm>> -> memref<100000x32xf32, #tpu.memory_space<hbm>>
    tpu.enqueue_indirect_dma source(%dma_start3A_57 : memref<100000x32xf32, #tpu.memory_space<hbm>>) target(%dma_start3A_47 : memref<128x32xf32, #tpu.memory_space<vmem>>) offsets(%dma_start3A_50 : memref<128xi32, #tpu.memory_space<vmem>>) semaphore(%arg10 : memref<!tpu.dma_semaphore, #tpu.memory_space<semaphore_mem>>)
    %dma_start3A_58 = arith.constant 0 : i32
    %dma_start3A_59 = arith.constant 3 : i32
    %dma_start3A_60 = arith.constant 3 : i32
    %dma_start3A_61 = arith.constant 0 : i32
    %dma_start3A_62 = arith.constant 0 : i32
    %dma_start3A_63 = tpu.memref_slice %arg7[%dma_start3A_60, %dma_start3A_61, %dma_start3A_62] : memref<8x128x32xf32, #tpu.memory_space<vmem>> -> memref<1x128x32xf32, #tpu.memory_space<vmem>>
    %dma_start3A_64 = tpu.memref_squeeze %dma_start3A_63 : memref<1x128x32xf32, #tpu.memory_space<vmem>> -> memref<128x32xf32, #tpu.memory_space<vmem>>
    %dma_start3A_65 = arith.constant 0 : i32
    %dma_start3A_66 = tpu.memref_slice %arg6[%dma_start3A_59, %dma_start3A_65] : memref<104x128xi32, #tpu.memory_space<vmem>> -> memref<1x128xi32, #tpu.memory_space<vmem>>
    %dma_start3A_67 = tpu.memref_squeeze %dma_start3A_66 : memref<1x128xi32, #tpu.memory_space<vmem>> -> memref<128xi32, #tpu.memory_space<vmem>>
    %dma_start3A_68 = arith.constant 0 : i32
    %dma_start3A_69 = arith.constant 0 : i32
    %dma_start3A_70 = tpu.memref_slice %arg3[%dma_start3A_58, %dma_start3A_68, %dma_start3A_69] : memref<26x100000x32xf32, #tpu.memory_space<hbm>> -> memref<1x100000x32xf32, #tpu.memory_space<hbm>>
    %dma_start3A_71 = tpu.memref_squeeze %dma_start3A_70 : memref<1x100000x32xf32, #tpu.memory_space<hbm>> -> memref<100000x32xf32, #tpu.memory_space<hbm>>
    %dma_start3A_72 = arith.constant 0 : i32
    %dma_start3A_73 = arith.constant 0 : i32
    %dma_start3A_74 = tpu.memref_slice %dma_start3A_71[%dma_start3A_72, %dma_start3A_73] : memref<100000x32xf32, #tpu.memory_space<hbm>> -> memref<100000x32xf32, #tpu.memory_space<hbm>>
    tpu.enqueue_indirect_dma source(%dma_start3A_74 : memref<100000x32xf32, #tpu.memory_space<hbm>>) target(%dma_start3A_64 : memref<128x32xf32, #tpu.memory_space<vmem>>) offsets(%dma_start3A_67 : memref<128xi32, #tpu.memory_space<vmem>>) semaphore(%arg11 : memref<!tpu.dma_semaphore, #tpu.memory_space<semaphore_mem>>)
    %dma_start3A_75 = arith.constant 0 : i32
    %dma_start3A_76 = arith.constant 4 : i32
    %dma_start3A_77 = arith.constant 4 : i32
    %dma_start3A_78 = arith.constant 0 : i32
    %dma_start3A_79 = arith.constant 0 : i32
    %dma_start3A_80 = tpu.memref_slice %arg7[%dma_start3A_77, %dma_start3A_78, %dma_start3A_79] : memref<8x128x32xf32, #tpu.memory_space<vmem>> -> memref<1x128x32xf32, #tpu.memory_space<vmem>>
    %dma_start3A_81 = tpu.memref_squeeze %dma_start3A_80 : memref<1x128x32xf32, #tpu.memory_space<vmem>> -> memref<128x32xf32, #tpu.memory_space<vmem>>
    %dma_start3A_82 = arith.constant 0 : i32
    %dma_start3A_83 = tpu.memref_slice %arg6[%dma_start3A_76, %dma_start3A_82] : memref<104x128xi32, #tpu.memory_space<vmem>> -> memref<1x128xi32, #tpu.memory_space<vmem>>
    %dma_start3A_84 = tpu.memref_squeeze %dma_start3A_83 : memref<1x128xi32, #tpu.memory_space<vmem>> -> memref<128xi32, #tpu.memory_space<vmem>>
    %dma_start3A_85 = arith.constant 0 : i32
    %dma_start3A_86 = arith.constant 0 : i32
    %dma_start3A_87 = tpu.memref_slice %arg3[%dma_start3A_75, %dma_start3A_85, %dma_start3A_86] : memref<26x100000x32xf32, #tpu.memory_space<hbm>> -> memref<1x100000x32xf32, #tpu.memory_space<hbm>>
    %dma_start3A_88 = tpu.memref_squeeze %dma_start3A_87 : memref<1x100000x32xf32, #tpu.memory_space<hbm>> -> memref<100000x32xf32, #tpu.memory_space<hbm>>
    %dma_start3A_89 = arith.constant 0 : i32
    %dma_start3A_90 = arith.constant 0 : i32
    %dma_start3A_91 = tpu.memref_slice %dma_start3A_88[%dma_start3A_89, %dma_start3A_90] : memref<100000x32xf32, #tpu.memory_space<hbm>> -> memref<100000x32xf32, #tpu.memory_space<hbm>>
    tpu.enqueue_indirect_dma source(%dma_start3A_91 : memref<100000x32xf32, #tpu.memory_space<hbm>>) target(%dma_start3A_81 : memref<128x32xf32, #tpu.memory_space<vmem>>) offsets(%dma_start3A_84 : memref<128xi32, #tpu.memory_space<vmem>>) semaphore(%arg12 : memref<!tpu.dma_semaphore, #tpu.memory_space<semaphore_mem>>)
    %dma_start3A_92 = arith.constant 0 : i32
    %dma_start3A_93 = arith.constant 5 : i32
    %dma_start3A_94 = arith.constant 5 : i32
    %dma_start3A_95 = arith.constant 0 : i32
    %dma_start3A_96 = arith.constant 0 : i32
    %dma_start3A_97 = tpu.memref_slice %arg7[%dma_start3A_94, %dma_start3A_95, %dma_start3A_96] : memref<8x128x32xf32, #tpu.memory_space<vmem>> -> memref<1x128x32xf32, #tpu.memory_space<vmem>>
    %dma_start3A_98 = tpu.memref_squeeze %dma_start3A_97 : memref<1x128x32xf32, #tpu.memory_space<vmem>> -> memref<128x32xf32, #tpu.memory_space<vmem>>
    %dma_start3A_99 = arith.constant 0 : i32
    %dma_start3A_100 = tpu.memref_slice %arg6[%dma_start3A_93, %dma_start3A_99] : memref<104x128xi32, #tpu.memory_space<vmem>> -> memref<1x128xi32, #tpu.memory_space<vmem>>
    %dma_start3A_101 = tpu.memref_squeeze %dma_start3A_100 : memref<1x128xi32, #tpu.memory_space<vmem>> -> memref<128xi32, #tpu.memory_space<vmem>>
    %dma_start3A_102 = arith.constant 0 : i32
    %dma_start3A_103 = arith.constant 0 : i32
    %dma_start3A_104 = tpu.memref_slice %arg3[%dma_start3A_92, %dma_start3A_102, %dma_start3A_103] : memref<26x100000x32xf32, #tpu.memory_space<hbm>> -> memref<1x100000x32xf32, #tpu.memory_space<hbm>>
    %dma_start3A_105 = tpu.memref_squeeze %dma_start3A_104 : memref<1x100000x32xf32, #tpu.memory_space<hbm>> -> memref<100000x32xf32, #tpu.memory_space<hbm>>
    %dma_start3A_106 = arith.constant 0 : i32
    %dma_start3A_107 = arith.constant 0 : i32
    %dma_start3A_108 = tpu.memref_slice %dma_start3A_105[%dma_start3A_106, %dma_start3A_107] : memref<100000x32xf32, #tpu.memory_space<hbm>> -> memref<100000x32xf32, #tpu.memory_space<hbm>>
    tpu.enqueue_indirect_dma source(%dma_start3A_108 : memref<100000x32xf32, #tpu.memory_space<hbm>>) target(%dma_start3A_98 : memref<128x32xf32, #tpu.memory_space<vmem>>) offsets(%dma_start3A_101 : memref<128xi32, #tpu.memory_space<vmem>>) semaphore(%arg13 : memref<!tpu.dma_semaphore, #tpu.memory_space<semaphore_mem>>)
    %dma_start3A_109 = arith.constant 0 : i32
    %dma_start3A_110 = arith.constant 6 : i32
    %dma_start3A_111 = arith.constant 6 : i32
    %dma_start3A_112 = arith.constant 0 : i32
    %dma_start3A_113 = arith.constant 0 : i32
    %dma_start3A_114 = tpu.memref_slice %arg7[%dma_start3A_111, %dma_start3A_112, %dma_start3A_113] : memref<8x128x32xf32, #tpu.memory_space<vmem>> -> memref<1x128x32xf32, #tpu.memory_space<vmem>>
    %dma_start3A_115 = tpu.memref_squeeze %dma_start3A_114 : memref<1x128x32xf32, #tpu.memory_space<vmem>> -> memref<128x32xf32, #tpu.memory_space<vmem>>
    %dma_start3A_116 = arith.constant 0 : i32
    %dma_start3A_117 = tpu.memref_slice %arg6[%dma_start3A_110, %dma_start3A_116] : memref<104x128xi32, #tpu.memory_space<vmem>> -> memref<1x128xi32, #tpu.memory_space<vmem>>
    %dma_start3A_118 = tpu.memref_squeeze %dma_start3A_117 : memref<1x128xi32, #tpu.memory_space<vmem>> -> memref<128xi32, #tpu.memory_space<vmem>>
    %dma_start3A_119 = arith.constant 0 : i32
    %dma_start3A_120 = arith.constant 0 : i32
    %dma_start3A_121 = tpu.memref_slice %arg3[%dma_start3A_109, %dma_start3A_119, %dma_start3A_120] : memref<26x100000x32xf32, #tpu.memory_space<hbm>> -> memref<1x100000x32xf32, #tpu.memory_space<hbm>>
    %dma_start3A_122 = tpu.memref_squeeze %dma_start3A_121 : memref<1x100000x32xf32, #tpu.memory_space<hbm>> -> memref<100000x32xf32, #tpu.memory_space<hbm>>
    %dma_start3A_123 = arith.constant 0 : i32
    %dma_start3A_124 = arith.constant 0 : i32
    %dma_start3A_125 = tpu.memref_slice %dma_start3A_122[%dma_start3A_123, %dma_start3A_124] : memref<100000x32xf32, #tpu.memory_space<hbm>> -> memref<100000x32xf32, #tpu.memory_space<hbm>>
    tpu.enqueue_indirect_dma source(%dma_start3A_125 : memref<100000x32xf32, #tpu.memory_space<hbm>>) target(%dma_start3A_115 : memref<128x32xf32, #tpu.memory_space<vmem>>) offsets(%dma_start3A_118 : memref<128xi32, #tpu.memory_space<vmem>>) semaphore(%arg14 : memref<!tpu.dma_semaphore, #tpu.memory_space<semaphore_mem>>)
    %dma_start3A_126 = arith.constant 0 : i32
    %dma_start3A_127 = arith.constant 7 : i32
    %dma_start3A_128 = arith.constant 7 : i32
    %dma_start3A_129 = arith.constant 0 : i32
    %dma_start3A_130 = arith.constant 0 : i32
    %dma_start3A_131 = tpu.memref_slice %arg7[%dma_start3A_128, %dma_start3A_129, %dma_start3A_130] : memref<8x128x32xf32, #tpu.memory_space<vmem>> -> memref<1x128x32xf32, #tpu.memory_space<vmem>>
    %dma_start3A_132 = tpu.memref_squeeze %dma_start3A_131 : memref<1x128x32xf32, #tpu.memory_space<vmem>> -> memref<128x32xf32, #tpu.memory_space<vmem>>
    %dma_start3A_133 = arith.constant 0 : i32
    %dma_start3A_134 = tpu.memref_slice %arg6[%dma_start3A_127, %dma_start3A_133] : memref<104x128xi32, #tpu.memory_space<vmem>> -> memref<1x128xi32, #tpu.memory_space<vmem>>
    %dma_start3A_135 = tpu.memref_squeeze %dma_start3A_134 : memref<1x128xi32, #tpu.memory_space<vmem>> -> memref<128xi32, #tpu.memory_space<vmem>>
    %dma_start3A_136 = arith.constant 0 : i32
    %dma_start3A_137 = arith.constant 0 : i32
    %dma_start3A_138 = tpu.memref_slice %arg3[%dma_start3A_126, %dma_start3A_136, %dma_start3A_137] : memref<26x100000x32xf32, #tpu.memory_space<hbm>> -> memref<1x100000x32xf32, #tpu.memory_space<hbm>>
    %dma_start3A_139 = tpu.memref_squeeze %dma_start3A_138 : memref<1x100000x32xf32, #tpu.memory_space<hbm>> -> memref<100000x32xf32, #tpu.memory_space<hbm>>
    %dma_start3A_140 = arith.constant 0 : i32
    %dma_start3A_141 = arith.constant 0 : i32
    %dma_start3A_142 = tpu.memref_slice %dma_start3A_139[%dma_start3A_140, %dma_start3A_141] : memref<100000x32xf32, #tpu.memory_space<hbm>> -> memref<100000x32xf32, #tpu.memory_space<hbm>>
    tpu.enqueue_indirect_dma source(%dma_start3A_142 : memref<100000x32xf32, #tpu.memory_space<hbm>>) target(%dma_start3A_132 : memref<128x32xf32, #tpu.memory_space<vmem>>) offsets(%dma_start3A_135 : memref<128xi32, #tpu.memory_space<vmem>>) semaphore(%arg15 : memref<!tpu.dma_semaphore, #tpu.memory_space<semaphore_mem>>)
    %scan3A_143 = arith.constant 0 : i32
    %scan3A_144 = arith.constant 0 : i32
    %scan3A_145 = arith.constant 13 : i32
    %scan3A_146 = arith.addi %scan3A_144, %scan3A_145 : i32
    %scan3A_147 = arith.constant 1 : i32
    scf.for %scan3A_149 = %scan3A_144 to %scan3A_146 step %scan3A_147  : i32 {
      %mul3A_150 = arith.constant 8 : i32
      %mul3A_151 = arith.muli %scan3A_149, %mul3A_150 : i32
      %add3A_152 = arith.constant 0 : i32
      %add3A_153 = arith.addi %mul3A_151, %add3A_152 : i32
      %dma_wait3A = arith.constant 0 : i32
      %dma_wait3A_154 = arith.constant 0 : i32
      %dma_wait3A_155 = arith.constant 0 : i32
      %dma_wait3A_156 = arith.constant 0 : i32
      %dma_wait3A_157 = tpu.memref_slice %arg7[%dma_wait3A_154, %dma_wait3A_155, %dma_wait3A_156] : memref<8x128x32xf32, #tpu.memory_space<vmem>> -> memref<1x128x32xf32, #tpu.memory_space<vmem>>
      %dma_wait3A_158 = tpu.memref_squeeze %dma_wait3A_157 : memref<1x128x32xf32, #tpu.memory_space<vmem>> -> memref<128x32xf32, #tpu.memory_space<vmem>>
      %dma_wait3A_159 = arith.constant 0 : i32
      %dma_wait3A_160 = tpu.memref_slice %arg6[%add3A_153, %dma_wait3A_159] : memref<104x128xi32, #tpu.memory_space<vmem>> -> memref<1x128xi32, #tpu.memory_space<vmem>>
      %dma_wait3A_161 = tpu.memref_squeeze %dma_wait3A_160 : memref<1x128xi32, #tpu.memory_space<vmem>> -> memref<128xi32, #tpu.memory_space<vmem>>
      %dma_wait3A_162 = arith.constant 0 : i32
      %dma_wait3A_163 = arith.constant 0 : i32
      %dma_wait3A_164 = tpu.memref_slice %arg3[%dma_wait3A, %dma_wait3A_162, %dma_wait3A_163] : memref<26x100000x32xf32, #tpu.memory_space<hbm>> -> memref<1x100000x32xf32, #tpu.memory_space<hbm>>
      %dma_wait3A_165 = tpu.memref_squeeze %dma_wait3A_164 : memref<1x100000x32xf32, #tpu.memory_space<hbm>> -> memref<100000x32xf32, #tpu.memory_space<hbm>>
      %dma_wait3A_166 = arith.constant 0 : i32
      %dma_wait3A_167 = arith.constant 0 : i32
      %dma_wait3A_168 = tpu.memref_slice %dma_wait3A_165[%dma_wait3A_166, %dma_wait3A_167] : memref<100000x32xf32, #tpu.memory_space<hbm>> -> memref<100000x32xf32, #tpu.memory_space<hbm>>
      tpu.wait_indirect_dma semaphore(%arg8 : memref<!tpu.dma_semaphore, #tpu.memory_space<semaphore_mem>>) src(%dma_wait3A_168 : memref<100000x32xf32, #tpu.memory_space<hbm>>) dst(%dma_wait3A_158 : memref<128x32xf32, #tpu.memory_space<vmem>>)
      %mul3A_169 = arith.constant 128 : i32
      %mul3A_170 = arith.muli %add3A_153, %mul3A_169 : i32
      %add3A_171 = arith.addi %mul3A_2, %mul3A_170 : i32
      %dma_start3A_172 = arith.constant 0 : i32
      %dma_start3A_173 = arith.constant 0 : i32
      %dma_start3A_174 = arith.constant 0 : i32
      %dma_start3A_175 = tpu.memref_slice %arg7[%dma_start3A_172, %dma_start3A_173, %dma_start3A_174] : memref<8x128x32xf32, #tpu.memory_space<vmem>> -> memref<1x128x32xf32, #tpu.memory_space<vmem>>
      %dma_start3A_176 = tpu.memref_squeeze %dma_start3A_175 : memref<1x128x32xf32, #tpu.memory_space<vmem>> -> memref<128x32xf32, #tpu.memory_space<vmem>>
      %dma_start3A_177 = arith.constant 0 : i32
      %dma_start3A_178 = tpu.memref_slice %arg4[%add3A_171, %dma_start3A_177] : memref<425984x32xf32, #tpu.memory_space<hbm>> -> memref<128x32xf32, #tpu.memory_space<hbm>>
      %dma_start3A_179 = arith.constant 0 : i32
      %dma_start3A_180 = tpu.memref_slice %arg4[%add3A_171, %dma_start3A_179] : memref<425984x32xf32, #tpu.memory_space<hbm>> -> memref<128x32xf32, #tpu.memory_space<hbm>>
      %dma_start3A_181 = arith.constant 0 : i32
      %dma_start3A_182 = arith.constant 0 : i32
      %dma_start3A_183 = tpu.memref_slice %arg7[%dma_start3A_172, %dma_start3A_181, %dma_start3A_182] : memref<8x128x32xf32, #tpu.memory_space<vmem>> -> memref<1x128x32xf32, #tpu.memory_space<vmem>>
      %dma_start3A_184 = tpu.memref_squeeze %dma_start3A_183 : memref<1x128x32xf32, #tpu.memory_space<vmem>> -> memref<128x32xf32, #tpu.memory_space<vmem>>
      tpu.enqueue_dma source(%dma_start3A_184 : memref<128x32xf32, #tpu.memory_space<vmem>>) target(%dma_start3A_180 : memref<128x32xf32, #tpu.memory_space<hbm>>) target_semaphore(%arg16 : memref<!tpu.dma_semaphore, #tpu.memory_space<semaphore_mem>>)
      %mul3A_185 = arith.constant 8 : i32
      %mul3A_186 = arith.muli %scan3A_149, %mul3A_185 : i32
      %add3A_187 = arith.constant 1 : i32
      %add3A_188 = arith.addi %mul3A_186, %add3A_187 : i32
      %dma_wait3A_189 = arith.constant 0 : i32
      %dma_wait3A_190 = arith.constant 1 : i32
      %dma_wait3A_191 = arith.constant 0 : i32
      %dma_wait3A_192 = arith.constant 0 : i32
      %dma_wait3A_193 = tpu.memref_slice %arg7[%dma_wait3A_190, %dma_wait3A_191, %dma_wait3A_192] : memref<8x128x32xf32, #tpu.memory_space<vmem>> -> memref<1x128x32xf32, #tpu.memory_space<vmem>>
      %dma_wait3A_194 = tpu.memref_squeeze %dma_wait3A_193 : memref<1x128x32xf32, #tpu.memory_space<vmem>> -> memref<128x32xf32, #tpu.memory_space<vmem>>
      %dma_wait3A_195 = arith.constant 0 : i32
      %dma_wait3A_196 = tpu.memref_slice %arg6[%add3A_188, %dma_wait3A_195] : memref<104x128xi32, #tpu.memory_space<vmem>> -> memref<1x128xi32, #tpu.memory_space<vmem>>
      %dma_wait3A_197 = tpu.memref_squeeze %dma_wait3A_196 : memref<1x128xi32, #tpu.memory_space<vmem>> -> memref<128xi32, #tpu.memory_space<vmem>>
      %dma_wait3A_198 = arith.constant 0 : i32
      %dma_wait3A_199 = arith.constant 0 : i32
      %dma_wait3A_200 = tpu.memref_slice %arg3[%dma_wait3A_189, %dma_wait3A_198, %dma_wait3A_199] : memref<26x100000x32xf32, #tpu.memory_space<hbm>> -> memref<1x100000x32xf32, #tpu.memory_space<hbm>>
      %dma_wait3A_201 = tpu.memref_squeeze %dma_wait3A_200 : memref<1x100000x32xf32, #tpu.memory_space<hbm>> -> memref<100000x32xf32, #tpu.memory_space<hbm>>
      %dma_wait3A_202 = arith.constant 0 : i32
      %dma_wait3A_203 = arith.constant 0 : i32
      %dma_wait3A_204 = tpu.memref_slice %dma_wait3A_201[%dma_wait3A_202, %dma_wait3A_203] : memref<100000x32xf32, #tpu.memory_space<hbm>> -> memref<100000x32xf32, #tpu.memory_space<hbm>>
      tpu.wait_indirect_dma semaphore(%arg9 : memref<!tpu.dma_semaphore, #tpu.memory_space<semaphore_mem>>) src(%dma_wait3A_204 : memref<100000x32xf32, #tpu.memory_space<hbm>>) dst(%dma_wait3A_194 : memref<128x32xf32, #tpu.memory_space<vmem>>)
      %mul3A_205 = arith.constant 128 : i32
      %mul3A_206 = arith.muli %add3A_188, %mul3A_205 : i32
      %add3A_207 = arith.addi %mul3A_2, %mul3A_206 : i32
      %dma_start3A_208 = arith.constant 1 : i32
      %dma_start3A_209 = arith.constant 0 : i32
      %dma_start3A_210 = arith.constant 0 : i32
      %dma_start3A_211 = tpu.memref_slice %arg7[%dma_start3A_208, %dma_start3A_209, %dma_start3A_210] : memref<8x128x32xf32, #tpu.memory_space<vmem>> -> memref<1x128x32xf32, #tpu.memory_space<vmem>>
      %dma_start3A_212 = tpu.memref_squeeze %dma_start3A_211 : memref<1x128x32xf32, #tpu.memory_space<vmem>> -> memref<128x32xf32, #tpu.memory_space<vmem>>
      %dma_start3A_213 = arith.constant 0 : i32
      %dma_start3A_214 = tpu.memref_slice %arg4[%add3A_207, %dma_start3A_213] : memref<425984x32xf32, #tpu.memory_space<hbm>> -> memref<128x32xf32, #tpu.memory_space<hbm>>
      %dma_start3A_215 = arith.constant 0 : i32
      %dma_start3A_216 = tpu.memref_slice %arg4[%add3A_207, %dma_start3A_215] : memref<425984x32xf32, #tpu.memory_space<hbm>> -> memref<128x32xf32, #tpu.memory_space<hbm>>
      %dma_start3A_217 = arith.constant 0 : i32
      %dma_start3A_218 = arith.constant 0 : i32
      %dma_start3A_219 = tpu.memref_slice %arg7[%dma_start3A_208, %dma_start3A_217, %dma_start3A_218] : memref<8x128x32xf32, #tpu.memory_space<vmem>> -> memref<1x128x32xf32, #tpu.memory_space<vmem>>
      %dma_start3A_220 = tpu.memref_squeeze %dma_start3A_219 : memref<1x128x32xf32, #tpu.memory_space<vmem>> -> memref<128x32xf32, #tpu.memory_space<vmem>>
      tpu.enqueue_dma source(%dma_start3A_220 : memref<128x32xf32, #tpu.memory_space<vmem>>) target(%dma_start3A_216 : memref<128x32xf32, #tpu.memory_space<hbm>>) target_semaphore(%arg17 : memref<!tpu.dma_semaphore, #tpu.memory_space<semaphore_mem>>)
      %mul3A_221 = arith.constant 8 : i32
      %mul3A_222 = arith.muli %scan3A_149, %mul3A_221 : i32
      %add3A_223 = arith.constant 2 : i32
      %add3A_224 = arith.addi %mul3A_222, %add3A_223 : i32
      %dma_wait3A_225 = arith.constant 0 : i32
      %dma_wait3A_226 = arith.constant 2 : i32
      %dma_wait3A_227 = arith.constant 0 : i32
      %dma_wait3A_228 = arith.constant 0 : i32
      %dma_wait3A_229 = tpu.memref_slice %arg7[%dma_wait3A_226, %dma_wait3A_227, %dma_wait3A_228] : memref<8x128x32xf32, #tpu.memory_space<vmem>> -> memref<1x128x32xf32, #tpu.memory_space<vmem>>
      %dma_wait3A_230 = tpu.memref_squeeze %dma_wait3A_229 : memref<1x128x32xf32, #tpu.memory_space<vmem>> -> memref<128x32xf32, #tpu.memory_space<vmem>>
      %dma_wait3A_231 = arith.constant 0 : i32
      %dma_wait3A_232 = tpu.memref_slice %arg6[%add3A_224, %dma_wait3A_231] : memref<104x128xi32, #tpu.memory_space<vmem>> -> memref<1x128xi32, #tpu.memory_space<vmem>>
      %dma_wait3A_233 = tpu.memref_squeeze %dma_wait3A_232 : memref<1x128xi32, #tpu.memory_space<vmem>> -> memref<128xi32, #tpu.memory_space<vmem>>
      %dma_wait3A_234 = arith.constant 0 : i32
      %dma_wait3A_235 = arith.constant 0 : i32
      %dma_wait3A_236 = tpu.memref_slice %arg3[%dma_wait3A_225, %dma_wait3A_234, %dma_wait3A_235] : memref<26x100000x32xf32, #tpu.memory_space<hbm>> -> memref<1x100000x32xf32, #tpu.memory_space<hbm>>
      %dma_wait3A_237 = tpu.memref_squeeze %dma_wait3A_236 : memref<1x100000x32xf32, #tpu.memory_space<hbm>> -> memref<100000x32xf32, #tpu.memory_space<hbm>>
      %dma_wait3A_238 = arith.constant 0 : i32
      %dma_wait3A_239 = arith.constant 0 : i32
      %dma_wait3A_240 = tpu.memref_slice %dma_wait3A_237[%dma_wait3A_238, %dma_wait3A_239] : memref<100000x32xf32, #tpu.memory_space<hbm>> -> memref<100000x32xf32, #tpu.memory_space<hbm>>
      tpu.wait_indirect_dma semaphore(%arg10 : memref<!tpu.dma_semaphore, #tpu.memory_space<semaphore_mem>>) src(%dma_wait3A_240 : memref<100000x32xf32, #tpu.memory_space<hbm>>) dst(%dma_wait3A_230 : memref<128x32xf32, #tpu.memory_space<vmem>>)
      %mul3A_241 = arith.constant 128 : i32
      %mul3A_242 = arith.muli %add3A_224, %mul3A_241 : i32
      %add3A_243 = arith.addi %mul3A_2, %mul3A_242 : i32
      %dma_start3A_244 = arith.constant 2 : i32
      %dma_start3A_245 = arith.constant 0 : i32
      %dma_start3A_246 = arith.constant 0 : i32
      %dma_start3A_247 = tpu.memref_slice %arg7[%dma_start3A_244, %dma_start3A_245, %dma_start3A_246] : memref<8x128x32xf32, #tpu.memory_space<vmem>> -> memref<1x128x32xf32, #tpu.memory_space<vmem>>
      %dma_start3A_248 = tpu.memref_squeeze %dma_start3A_247 : memref<1x128x32xf32, #tpu.memory_space<vmem>> -> memref<128x32xf32, #tpu.memory_space<vmem>>
      %dma_start3A_249 = arith.constant 0 : i32
      %dma_start3A_250 = tpu.memref_slice %arg4[%add3A_243, %dma_start3A_249] : memref<425984x32xf32, #tpu.memory_space<hbm>> -> memref<128x32xf32, #tpu.memory_space<hbm>>
      %dma_start3A_251 = arith.constant 0 : i32
      %dma_start3A_252 = tpu.memref_slice %arg4[%add3A_243, %dma_start3A_251] : memref<425984x32xf32, #tpu.memory_space<hbm>> -> memref<128x32xf32, #tpu.memory_space<hbm>>
      %dma_start3A_253 = arith.constant 0 : i32
      %dma_start3A_254 = arith.constant 0 : i32
      %dma_start3A_255 = tpu.memref_slice %arg7[%dma_start3A_244, %dma_start3A_253, %dma_start3A_254] : memref<8x128x32xf32, #tpu.memory_space<vmem>> -> memref<1x128x32xf32, #tpu.memory_space<vmem>>
      %dma_start3A_256 = tpu.memref_squeeze %dma_start3A_255 : memref<1x128x32xf32, #tpu.memory_space<vmem>> -> memref<128x32xf32, #tpu.memory_space<vmem>>
      tpu.enqueue_dma source(%dma_start3A_256 : memref<128x32xf32, #tpu.memory_space<vmem>>) target(%dma_start3A_252 : memref<128x32xf32, #tpu.memory_space<hbm>>) target_semaphore(%arg18 : memref<!tpu.dma_semaphore, #tpu.memory_space<semaphore_mem>>)
      %mul3A_257 = arith.constant 8 : i32
      %mul3A_258 = arith.muli %scan3A_149, %mul3A_257 : i32
      %add3A_259 = arith.constant 3 : i32
      %add3A_260 = arith.addi %mul3A_258, %add3A_259 : i32
      %dma_wait3A_261 = arith.constant 0 : i32
      %dma_wait3A_262 = arith.constant 3 : i32
      %dma_wait3A_263 = arith.constant 0 : i32
      %dma_wait3A_264 = arith.constant 0 : i32
      %dma_wait3A_265 = tpu.memref_slice %arg7[%dma_wait3A_262, %dma_wait3A_263, %dma_wait3A_264] : memref<8x128x32xf32, #tpu.memory_space<vmem>> -> memref<1x128x32xf32, #tpu.memory_space<vmem>>
      %dma_wait3A_266 = tpu.memref_squeeze %dma_wait3A_265 : memref<1x128x32xf32, #tpu.memory_space<vmem>> -> memref<128x32xf32, #tpu.memory_space<vmem>>
      %dma_wait3A_267 = arith.constant 0 : i32
      %dma_wait3A_268 = tpu.memref_slice %arg6[%add3A_260, %dma_wait3A_267] : memref<104x128xi32, #tpu.memory_space<vmem>> -> memref<1x128xi32, #tpu.memory_space<vmem>>
      %dma_wait3A_269 = tpu.memref_squeeze %dma_wait3A_268 : memref<1x128xi32, #tpu.memory_space<vmem>> -> memref<128xi32, #tpu.memory_space<vmem>>
      %dma_wait3A_270 = arith.constant 0 : i32
      %dma_wait3A_271 = arith.constant 0 : i32
      %dma_wait3A_272 = tpu.memref_slice %arg3[%dma_wait3A_261, %dma_wait3A_270, %dma_wait3A_271] : memref<26x100000x32xf32, #tpu.memory_space<hbm>> -> memref<1x100000x32xf32, #tpu.memory_space<hbm>>
      %dma_wait3A_273 = tpu.memref_squeeze %dma_wait3A_272 : memref<1x100000x32xf32, #tpu.memory_space<hbm>> -> memref<100000x32xf32, #tpu.memory_space<hbm>>
      %dma_wait3A_274 = arith.constant 0 : i32
      %dma_wait3A_275 = arith.constant 0 : i32
      %dma_wait3A_276 = tpu.memref_slice %dma_wait3A_273[%dma_wait3A_274, %dma_wait3A_275] : memref<100000x32xf32, #tpu.memory_space<hbm>> -> memref<100000x32xf32, #tpu.memory_space<hbm>>
      tpu.wait_indirect_dma semaphore(%arg11 : memref<!tpu.dma_semaphore, #tpu.memory_space<semaphore_mem>>) src(%dma_wait3A_276 : memref<100000x32xf32, #tpu.memory_space<hbm>>) dst(%dma_wait3A_266 : memref<128x32xf32, #tpu.memory_space<vmem>>)
      %mul3A_277 = arith.constant 128 : i32
      %mul3A_278 = arith.muli %add3A_260, %mul3A_277 : i32
      %add3A_279 = arith.addi %mul3A_2, %mul3A_278 : i32
      %dma_start3A_280 = arith.constant 3 : i32
      %dma_start3A_281 = arith.constant 0 : i32
      %dma_start3A_282 = arith.constant 0 : i32
      %dma_start3A_283 = tpu.memref_slice %arg7[%dma_start3A_280, %dma_start3A_281, %dma_start3A_282] : memref<8x128x32xf32, #tpu.memory_space<vmem>> -> memref<1x128x32xf32, #tpu.memory_space<vmem>>
      %dma_start3A_284 = tpu.memref_squeeze %dma_start3A_283 : memref<1x128x32xf32, #tpu.memory_space<vmem>> -> memref<128x32xf32, #tpu.memory_space<vmem>>
      %dma_start3A_285 = arith.constant 0 : i32
      %dma_start3A_286 = tpu.memref_slice %arg4[%add3A_279, %dma_start3A_285] : memref<425984x32xf32, #tpu.memory_space<hbm>> -> memref<128x32xf32, #tpu.memory_space<hbm>>
      %dma_start3A_287 = arith.constant 0 : i32
      %dma_start3A_288 = tpu.memref_slice %arg4[%add3A_279, %dma_start3A_287] : memref<425984x32xf32, #tpu.memory_space<hbm>> -> memref<128x32xf32, #tpu.memory_space<hbm>>
      %dma_start3A_289 = arith.constant 0 : i32
      %dma_start3A_290 = arith.constant 0 : i32
      %dma_start3A_291 = tpu.memref_slice %arg7[%dma_start3A_280, %dma_start3A_289, %dma_start3A_290] : memref<8x128x32xf32, #tpu.memory_space<vmem>> -> memref<1x128x32xf32, #tpu.memory_space<vmem>>
      %dma_start3A_292 = tpu.memref_squeeze %dma_start3A_291 : memref<1x128x32xf32, #tpu.memory_space<vmem>> -> memref<128x32xf32, #tpu.memory_space<vmem>>
      tpu.enqueue_dma source(%dma_start3A_292 : memref<128x32xf32, #tpu.memory_space<vmem>>) target(%dma_start3A_288 : memref<128x32xf32, #tpu.memory_space<hbm>>) target_semaphore(%arg19 : memref<!tpu.dma_semaphore, #tpu.memory_space<semaphore_mem>>)
      %mul3A_293 = arith.constant 8 : i32
      %mul3A_294 = arith.muli %scan3A_149, %mul3A_293 : i32
      %add3A_295 = arith.constant 4 : i32
      %add3A_296 = arith.addi %mul3A_294, %add3A_295 : i32
      %dma_wait3A_297 = arith.constant 0 : i32
      %dma_wait3A_298 = arith.constant 4 : i32
      %dma_wait3A_299 = arith.constant 0 : i32
      %dma_wait3A_300 = arith.constant 0 : i32
      %dma_wait3A_301 = tpu.memref_slice %arg7[%dma_wait3A_298, %dma_wait3A_299, %dma_wait3A_300] : memref<8x128x32xf32, #tpu.memory_space<vmem>> -> memref<1x128x32xf32, #tpu.memory_space<vmem>>
      %dma_wait3A_302 = tpu.memref_squeeze %dma_wait3A_301 : memref<1x128x32xf32, #tpu.memory_space<vmem>> -> memref<128x32xf32, #tpu.memory_space<vmem>>
      %dma_wait3A_303 = arith.constant 0 : i32
      %dma_wait3A_304 = tpu.memref_slice %arg6[%add3A_296, %dma_wait3A_303] : memref<104x128xi32, #tpu.memory_space<vmem>> -> memref<1x128xi32, #tpu.memory_space<vmem>>
      %dma_wait3A_305 = tpu.memref_squeeze %dma_wait3A_304 : memref<1x128xi32, #tpu.memory_space<vmem>> -> memref<128xi32, #tpu.memory_space<vmem>>
      %dma_wait3A_306 = arith.constant 0 : i32
      %dma_wait3A_307 = arith.constant 0 : i32
      %dma_wait3A_308 = tpu.memref_slice %arg3[%dma_wait3A_297, %dma_wait3A_306, %dma_wait3A_307] : memref<26x100000x32xf32, #tpu.memory_space<hbm>> -> memref<1x100000x32xf32, #tpu.memory_space<hbm>>
      %dma_wait3A_309 = tpu.memref_squeeze %dma_wait3A_308 : memref<1x100000x32xf32, #tpu.memory_space<hbm>> -> memref<100000x32xf32, #tpu.memory_space<hbm>>
      %dma_wait3A_310 = arith.constant 0 : i32
      %dma_wait3A_311 = arith.constant 0 : i32
      %dma_wait3A_312 = tpu.memref_slice %dma_wait3A_309[%dma_wait3A_310, %dma_wait3A_311] : memref<100000x32xf32, #tpu.memory_space<hbm>> -> memref<100000x32xf32, #tpu.memory_space<hbm>>
      tpu.wait_indirect_dma semaphore(%arg12 : memref<!tpu.dma_semaphore, #tpu.memory_space<semaphore_mem>>) src(%dma_wait3A_312 : memref<100000x32xf32, #tpu.memory_space<hbm>>) dst(%dma_wait3A_302 : memref<128x32xf32, #tpu.memory_space<vmem>>)
      %mul3A_313 = arith.constant 128 : i32
      %mul3A_314 = arith.muli %add3A_296, %mul3A_313 : i32
      %add3A_315 = arith.addi %mul3A_2, %mul3A_314 : i32
      %dma_start3A_316 = arith.constant 4 : i32
      %dma_start3A_317 = arith.constant 0 : i32
      %dma_start3A_318 = arith.constant 0 : i32
      %dma_start3A_319 = tpu.memref_slice %arg7[%dma_start3A_316, %dma_start3A_317, %dma_start3A_318] : memref<8x128x32xf32, #tpu.memory_space<vmem>> -> memref<1x128x32xf32, #tpu.memory_space<vmem>>
      %dma_start3A_320 = tpu.memref_squeeze %dma_start3A_319 : memref<1x128x32xf32, #tpu.memory_space<vmem>> -> memref<128x32xf32, #tpu.memory_space<vmem>>
      %dma_start3A_321 = arith.constant 0 : i32
      %dma_start3A_322 = tpu.memref_slice %arg4[%add3A_315, %dma_start3A_321] : memref<425984x32xf32, #tpu.memory_space<hbm>> -> memref<128x32xf32, #tpu.memory_space<hbm>>
      %dma_start3A_323 = arith.constant 0 : i32
      %dma_start3A_324 = tpu.memref_slice %arg4[%add3A_315, %dma_start3A_323] : memref<425984x32xf32, #tpu.memory_space<hbm>> -> memref<128x32xf32, #tpu.memory_space<hbm>>
      %dma_start3A_325 = arith.constant 0 : i32
      %dma_start3A_326 = arith.constant 0 : i32
      %dma_start3A_327 = tpu.memref_slice %arg7[%dma_start3A_316, %dma_start3A_325, %dma_start3A_326] : memref<8x128x32xf32, #tpu.memory_space<vmem>> -> memref<1x128x32xf32, #tpu.memory_space<vmem>>
      %dma_start3A_328 = tpu.memref_squeeze %dma_start3A_327 : memref<1x128x32xf32, #tpu.memory_space<vmem>> -> memref<128x32xf32, #tpu.memory_space<vmem>>
      tpu.enqueue_dma source(%dma_start3A_328 : memref<128x32xf32, #tpu.memory_space<vmem>>) target(%dma_start3A_324 : memref<128x32xf32, #tpu.memory_space<hbm>>) target_semaphore(%arg20 : memref<!tpu.dma_semaphore, #tpu.memory_space<semaphore_mem>>)
      %mul3A_329 = arith.constant 8 : i32
      %mul3A_330 = arith.muli %scan3A_149, %mul3A_329 : i32
      %add3A_331 = arith.constant 5 : i32
      %add3A_332 = arith.addi %mul3A_330, %add3A_331 : i32
      %dma_wait3A_333 = arith.constant 0 : i32
      %dma_wait3A_334 = arith.constant 5 : i32
      %dma_wait3A_335 = arith.constant 0 : i32
      %dma_wait3A_336 = arith.constant 0 : i32
      %dma_wait3A_337 = tpu.memref_slice %arg7[%dma_wait3A_334, %dma_wait3A_335, %dma_wait3A_336] : memref<8x128x32xf32, #tpu.memory_space<vmem>> -> memref<1x128x32xf32, #tpu.memory_space<vmem>>
      %dma_wait3A_338 = tpu.memref_squeeze %dma_wait3A_337 : memref<1x128x32xf32, #tpu.memory_space<vmem>> -> memref<128x32xf32, #tpu.memory_space<vmem>>
      %dma_wait3A_339 = arith.constant 0 : i32
      %dma_wait3A_340 = tpu.memref_slice %arg6[%add3A_332, %dma_wait3A_339] : memref<104x128xi32, #tpu.memory_space<vmem>> -> memref<1x128xi32, #tpu.memory_space<vmem>>
      %dma_wait3A_341 = tpu.memref_squeeze %dma_wait3A_340 : memref<1x128xi32, #tpu.memory_space<vmem>> -> memref<128xi32, #tpu.memory_space<vmem>>
      %dma_wait3A_342 = arith.constant 0 : i32
      %dma_wait3A_343 = arith.constant 0 : i32
      %dma_wait3A_344 = tpu.memref_slice %arg3[%dma_wait3A_333, %dma_wait3A_342, %dma_wait3A_343] : memref<26x100000x32xf32, #tpu.memory_space<hbm>> -> memref<1x100000x32xf32, #tpu.memory_space<hbm>>
      %dma_wait3A_345 = tpu.memref_squeeze %dma_wait3A_344 : memref<1x100000x32xf32, #tpu.memory_space<hbm>> -> memref<100000x32xf32, #tpu.memory_space<hbm>>
      %dma_wait3A_346 = arith.constant 0 : i32
      %dma_wait3A_347 = arith.constant 0 : i32
      %dma_wait3A_348 = tpu.memref_slice %dma_wait3A_345[%dma_wait3A_346, %dma_wait3A_347] : memref<100000x32xf32, #tpu.memory_space<hbm>> -> memref<100000x32xf32, #tpu.memory_space<hbm>>
      tpu.wait_indirect_dma semaphore(%arg13 : memref<!tpu.dma_semaphore, #tpu.memory_space<semaphore_mem>>) src(%dma_wait3A_348 : memref<100000x32xf32, #tpu.memory_space<hbm>>) dst(%dma_wait3A_338 : memref<128x32xf32, #tpu.memory_space<vmem>>)
      %mul3A_349 = arith.constant 128 : i32
      %mul3A_350 = arith.muli %add3A_332, %mul3A_349 : i32
      %add3A_351 = arith.addi %mul3A_2, %mul3A_350 : i32
      %dma_start3A_352 = arith.constant 5 : i32
      %dma_start3A_353 = arith.constant 0 : i32
      %dma_start3A_354 = arith.constant 0 : i32
      %dma_start3A_355 = tpu.memref_slice %arg7[%dma_start3A_352, %dma_start3A_353, %dma_start3A_354] : memref<8x128x32xf32, #tpu.memory_space<vmem>> -> memref<1x128x32xf32, #tpu.memory_space<vmem>>
      %dma_start3A_356 = tpu.memref_squeeze %dma_start3A_355 : memref<1x128x32xf32, #tpu.memory_space<vmem>> -> memref<128x32xf32, #tpu.memory_space<vmem>>
      %dma_start3A_357 = arith.constant 0 : i32
      %dma_start3A_358 = tpu.memref_slice %arg4[%add3A_351, %dma_start3A_357] : memref<425984x32xf32, #tpu.memory_space<hbm>> -> memref<128x32xf32, #tpu.memory_space<hbm>>
      %dma_start3A_359 = arith.constant 0 : i32
      %dma_start3A_360 = tpu.memref_slice %arg4[%add3A_351, %dma_start3A_359] : memref<425984x32xf32, #tpu.memory_space<hbm>> -> memref<128x32xf32, #tpu.memory_space<hbm>>
      %dma_start3A_361 = arith.constant 0 : i32
      %dma_start3A_362 = arith.constant 0 : i32
      %dma_start3A_363 = tpu.memref_slice %arg7[%dma_start3A_352, %dma_start3A_361, %dma_start3A_362] : memref<8x128x32xf32, #tpu.memory_space<vmem>> -> memref<1x128x32xf32, #tpu.memory_space<vmem>>
      %dma_start3A_364 = tpu.memref_squeeze %dma_start3A_363 : memref<1x128x32xf32, #tpu.memory_space<vmem>> -> memref<128x32xf32, #tpu.memory_space<vmem>>
      tpu.enqueue_dma source(%dma_start3A_364 : memref<128x32xf32, #tpu.memory_space<vmem>>) target(%dma_start3A_360 : memref<128x32xf32, #tpu.memory_space<hbm>>) target_semaphore(%arg21 : memref<!tpu.dma_semaphore, #tpu.memory_space<semaphore_mem>>)
      %mul3A_365 = arith.constant 8 : i32
      %mul3A_366 = arith.muli %scan3A_149, %mul3A_365 : i32
      %add3A_367 = arith.constant 6 : i32
      %add3A_368 = arith.addi %mul3A_366, %add3A_367 : i32
      %dma_wait3A_369 = arith.constant 0 : i32
      %dma_wait3A_370 = arith.constant 6 : i32
      %dma_wait3A_371 = arith.constant 0 : i32
      %dma_wait3A_372 = arith.constant 0 : i32
      %dma_wait3A_373 = tpu.memref_slice %arg7[%dma_wait3A_370, %dma_wait3A_371, %dma_wait3A_372] : memref<8x128x32xf32, #tpu.memory_space<vmem>> -> memref<1x128x32xf32, #tpu.memory_space<vmem>>
      %dma_wait3A_374 = tpu.memref_squeeze %dma_wait3A_373 : memref<1x128x32xf32, #tpu.memory_space<vmem>> -> memref<128x32xf32, #tpu.memory_space<vmem>>
      %dma_wait3A_375 = arith.constant 0 : i32
      %dma_wait3A_376 = tpu.memref_slice %arg6[%add3A_368, %dma_wait3A_375] : memref<104x128xi32, #tpu.memory_space<vmem>> -> memref<1x128xi32, #tpu.memory_space<vmem>>
      %dma_wait3A_377 = tpu.memref_squeeze %dma_wait3A_376 : memref<1x128xi32, #tpu.memory_space<vmem>> -> memref<128xi32, #tpu.memory_space<vmem>>
      %dma_wait3A_378 = arith.constant 0 : i32
      %dma_wait3A_379 = arith.constant 0 : i32
      %dma_wait3A_380 = tpu.memref_slice %arg3[%dma_wait3A_369, %dma_wait3A_378, %dma_wait3A_379] : memref<26x100000x32xf32, #tpu.memory_space<hbm>> -> memref<1x100000x32xf32, #tpu.memory_space<hbm>>
      %dma_wait3A_381 = tpu.memref_squeeze %dma_wait3A_380 : memref<1x100000x32xf32, #tpu.memory_space<hbm>> -> memref<100000x32xf32, #tpu.memory_space<hbm>>
      %dma_wait3A_382 = arith.constant 0 : i32
      %dma_wait3A_383 = arith.constant 0 : i32
      %dma_wait3A_384 = tpu.memref_slice %dma_wait3A_381[%dma_wait3A_382, %dma_wait3A_383] : memref<100000x32xf32, #tpu.memory_space<hbm>> -> memref<100000x32xf32, #tpu.memory_space<hbm>>
      tpu.wait_indirect_dma semaphore(%arg14 : memref<!tpu.dma_semaphore, #tpu.memory_space<semaphore_mem>>) src(%dma_wait3A_384 : memref<100000x32xf32, #tpu.memory_space<hbm>>) dst(%dma_wait3A_374 : memref<128x32xf32, #tpu.memory_space<vmem>>)
      %mul3A_385 = arith.constant 128 : i32
      %mul3A_386 = arith.muli %add3A_368, %mul3A_385 : i32
      %add3A_387 = arith.addi %mul3A_2, %mul3A_386 : i32
      %dma_start3A_388 = arith.constant 6 : i32
      %dma_start3A_389 = arith.constant 0 : i32
      %dma_start3A_390 = arith.constant 0 : i32
      %dma_start3A_391 = tpu.memref_slice %arg7[%dma_start3A_388, %dma_start3A_389, %dma_start3A_390] : memref<8x128x32xf32, #tpu.memory_space<vmem>> -> memref<1x128x32xf32, #tpu.memory_space<vmem>>
      %dma_start3A_392 = tpu.memref_squeeze %dma_start3A_391 : memref<1x128x32xf32, #tpu.memory_space<vmem>> -> memref<128x32xf32, #tpu.memory_space<vmem>>
      %dma_start3A_393 = arith.constant 0 : i32
      %dma_start3A_394 = tpu.memref_slice %arg4[%add3A_387, %dma_start3A_393] : memref<425984x32xf32, #tpu.memory_space<hbm>> -> memref<128x32xf32, #tpu.memory_space<hbm>>
      %dma_start3A_395 = arith.constant 0 : i32
      %dma_start3A_396 = tpu.memref_slice %arg4[%add3A_387, %dma_start3A_395] : memref<425984x32xf32, #tpu.memory_space<hbm>> -> memref<128x32xf32, #tpu.memory_space<hbm>>
      %dma_start3A_397 = arith.constant 0 : i32
      %dma_start3A_398 = arith.constant 0 : i32
      %dma_start3A_399 = tpu.memref_slice %arg7[%dma_start3A_388, %dma_start3A_397, %dma_start3A_398] : memref<8x128x32xf32, #tpu.memory_space<vmem>> -> memref<1x128x32xf32, #tpu.memory_space<vmem>>
      %dma_start3A_400 = tpu.memref_squeeze %dma_start3A_399 : memref<1x128x32xf32, #tpu.memory_space<vmem>> -> memref<128x32xf32, #tpu.memory_space<vmem>>
      tpu.enqueue_dma source(%dma_start3A_400 : memref<128x32xf32, #tpu.memory_space<vmem>>) target(%dma_start3A_396 : memref<128x32xf32, #tpu.memory_space<hbm>>) target_semaphore(%arg22 : memref<!tpu.dma_semaphore, #tpu.memory_space<semaphore_mem>>)
      %mul3A_401 = arith.constant 8 : i32
      %mul3A_402 = arith.muli %scan3A_149, %mul3A_401 : i32
      %add3A_403 = arith.constant 7 : i32
      %add3A_404 = arith.addi %mul3A_402, %add3A_403 : i32
      %dma_wait3A_405 = arith.constant 0 : i32
      %dma_wait3A_406 = arith.constant 7 : i32
      %dma_wait3A_407 = arith.constant 0 : i32
      %dma_wait3A_408 = arith.constant 0 : i32
      %dma_wait3A_409 = tpu.memref_slice %arg7[%dma_wait3A_406, %dma_wait3A_407, %dma_wait3A_408] : memref<8x128x32xf32, #tpu.memory_space<vmem>> -> memref<1x128x32xf32, #tpu.memory_space<vmem>>
      %dma_wait3A_410 = tpu.memref_squeeze %dma_wait3A_409 : memref<1x128x32xf32, #tpu.memory_space<vmem>> -> memref<128x32xf32, #tpu.memory_space<vmem>>
      %dma_wait3A_411 = arith.constant 0 : i32
      %dma_wait3A_412 = tpu.memref_slice %arg6[%add3A_404, %dma_wait3A_411] : memref<104x128xi32, #tpu.memory_space<vmem>> -> memref<1x128xi32, #tpu.memory_space<vmem>>
      %dma_wait3A_413 = tpu.memref_squeeze %dma_wait3A_412 : memref<1x128xi32, #tpu.memory_space<vmem>> -> memref<128xi32, #tpu.memory_space<vmem>>
      %dma_wait3A_414 = arith.constant 0 : i32
      %dma_wait3A_415 = arith.constant 0 : i32
      %dma_wait3A_416 = tpu.memref_slice %arg3[%dma_wait3A_405, %dma_wait3A_414, %dma_wait3A_415] : memref<26x100000x32xf32, #tpu.memory_space<hbm>> -> memref<1x100000x32xf32, #tpu.memory_space<hbm>>
      %dma_wait3A_417 = tpu.memref_squeeze %dma_wait3A_416 : memref<1x100000x32xf32, #tpu.memory_space<hbm>> -> memref<100000x32xf32, #tpu.memory_space<hbm>>
      %dma_wait3A_418 = arith.constant 0 : i32
      %dma_wait3A_419 = arith.constant 0 : i32
      %dma_wait3A_420 = tpu.memref_slice %dma_wait3A_417[%dma_wait3A_418, %dma_wait3A_419] : memref<100000x32xf32, #tpu.memory_space<hbm>> -> memref<100000x32xf32, #tpu.memory_space<hbm>>
      tpu.wait_indirect_dma semaphore(%arg15 : memref<!tpu.dma_semaphore, #tpu.memory_space<semaphore_mem>>) src(%dma_wait3A_420 : memref<100000x32xf32, #tpu.memory_space<hbm>>) dst(%dma_wait3A_410 : memref<128x32xf32, #tpu.memory_space<vmem>>)
      %mul3A_421 = arith.constant 128 : i32
      %mul3A_422 = arith.muli %add3A_404, %mul3A_421 : i32
      %add3A_423 = arith.addi %mul3A_2, %mul3A_422 : i32
      %dma_start3A_424 = arith.constant 7 : i32
      %dma_start3A_425 = arith.constant 0 : i32
      %dma_start3A_426 = arith.constant 0 : i32
      %dma_start3A_427 = tpu.memref_slice %arg7[%dma_start3A_424, %dma_start3A_425, %dma_start3A_426] : memref<8x128x32xf32, #tpu.memory_space<vmem>> -> memref<1x128x32xf32, #tpu.memory_space<vmem>>
      %dma_start3A_428 = tpu.memref_squeeze %dma_start3A_427 : memref<1x128x32xf32, #tpu.memory_space<vmem>> -> memref<128x32xf32, #tpu.memory_space<vmem>>
      %dma_start3A_429 = arith.constant 0 : i32
      %dma_start3A_430 = tpu.memref_slice %arg4[%add3A_423, %dma_start3A_429] : memref<425984x32xf32, #tpu.memory_space<hbm>> -> memref<128x32xf32, #tpu.memory_space<hbm>>
      %dma_start3A_431 = arith.constant 0 : i32
      %dma_start3A_432 = tpu.memref_slice %arg4[%add3A_423, %dma_start3A_431] : memref<425984x32xf32, #tpu.memory_space<hbm>> -> memref<128x32xf32, #tpu.memory_space<hbm>>
      %dma_start3A_433 = arith.constant 0 : i32
      %dma_start3A_434 = arith.constant 0 : i32
      %dma_start3A_435 = tpu.memref_slice %arg7[%dma_start3A_424, %dma_start3A_433, %dma_start3A_434] : memref<8x128x32xf32, #tpu.memory_space<vmem>> -> memref<1x128x32xf32, #tpu.memory_space<vmem>>
      %dma_start3A_436 = tpu.memref_squeeze %dma_start3A_435 : memref<1x128x32xf32, #tpu.memory_space<vmem>> -> memref<128x32xf32, #tpu.memory_space<vmem>>
      tpu.enqueue_dma source(%dma_start3A_436 : memref<128x32xf32, #tpu.memory_space<vmem>>) target(%dma_start3A_432 : memref<128x32xf32, #tpu.memory_space<hbm>>) target_semaphore(%arg23 : memref<!tpu.dma_semaphore, #tpu.memory_space<semaphore_mem>>)
      %mul3A_437 = arith.constant 8 : i32
      %mul3A_438 = arith.muli %scan3A_149, %mul3A_437 : i32
      %add3A_439 = arith.constant 0 : i32
      %add3A_440 = arith.addi %mul3A_438, %add3A_439 : i32
      %mul3A_441 = arith.constant 128 : i32
      %mul3A_442 = arith.muli %add3A_440, %mul3A_441 : i32
      %add3A_443 = arith.addi %mul3A_2, %mul3A_442 : i32
      %dma_wait3A_444 = arith.constant 0 : i32
      %dma_wait3A_445 = arith.constant 0 : i32
      %dma_wait3A_446 = arith.constant 0 : i32
      %dma_wait3A_447 = tpu.memref_slice %arg7[%dma_wait3A_444, %dma_wait3A_445, %dma_wait3A_446] : memref<8x128x32xf32, #tpu.memory_space<vmem>> -> memref<1x128x32xf32, #tpu.memory_space<vmem>>
      %dma_wait3A_448 = tpu.memref_squeeze %dma_wait3A_447 : memref<1x128x32xf32, #tpu.memory_space<vmem>> -> memref<128x32xf32, #tpu.memory_space<vmem>>
      %dma_wait3A_449 = arith.constant 0 : i32
      %dma_wait3A_450 = tpu.memref_slice %arg4[%add3A_443, %dma_wait3A_449] : memref<425984x32xf32, #tpu.memory_space<hbm>> -> memref<128x32xf32, #tpu.memory_space<hbm>>
      %dma_wait3A_451 = arith.constant 0 : i32
      %dma_wait3A_452 = tpu.memref_slice %arg4[%add3A_443, %dma_wait3A_451] : memref<425984x32xf32, #tpu.memory_space<hbm>> -> memref<128x32xf32, #tpu.memory_space<hbm>>
      %dma_wait3A_453 = arith.constant 0 : i32
      %dma_wait3A_454 = arith.constant 0 : i32
      %dma_wait3A_455 = tpu.memref_slice %arg7[%dma_wait3A_444, %dma_wait3A_453, %dma_wait3A_454] : memref<8x128x32xf32, #tpu.memory_space<vmem>> -> memref<1x128x32xf32, #tpu.memory_space<vmem>>
      %dma_wait3A_456 = tpu.memref_squeeze %dma_wait3A_455 : memref<1x128x32xf32, #tpu.memory_space<vmem>> -> memref<128x32xf32, #tpu.memory_space<vmem>>
      tpu.wait_dma2 semaphore(%arg16 : memref<!tpu.dma_semaphore, #tpu.memory_space<semaphore_mem>>) src(%dma_wait3A_456 : memref<128x32xf32, #tpu.memory_space<vmem>>) dst(%dma_wait3A_452 : memref<128x32xf32, #tpu.memory_space<hbm>>)
      %add3A_457 = arith.constant 8 : i32
      %add3A_458 = arith.addi %add3A_440, %add3A_457 : i32
      %lt3A = arith.constant 104 : i32
      %lt3A_459 = arith.cmpi slt, %add3A_458, %lt3A : i32
      %convert_element_type3A = arith.extui %lt3A_459 : i1 to i32
      %cond3A = arith.constant 0 : i32
      %cond3A_460 = arith.cmpi ne, %convert_element_type3A, %cond3A : i32
      scf.if %cond3A_460 {
        %add3A_650 = arith.constant 8 : i32
        %add3A_651 = arith.addi %add3A_440, %add3A_650 : i32
        %dma_start3A_652 = arith.constant 0 : i32
        %dma_start3A_653 = arith.constant 0 : i32
        %dma_start3A_654 = arith.constant 0 : i32
        %dma_start3A_655 = arith.constant 0 : i32
        %dma_start3A_656 = tpu.memref_slice %arg7[%dma_start3A_653, %dma_start3A_654, %dma_start3A_655] : memref<8x128x32xf32, #tpu.memory_space<vmem>> -> memref<1x128x32xf32, #tpu.memory_space<vmem>>
        %dma_start3A_657 = tpu.memref_squeeze %dma_start3A_656 : memref<1x128x32xf32, #tpu.memory_space<vmem>> -> memref<128x32xf32, #tpu.memory_space<vmem>>
        %dma_start3A_658 = arith.constant 0 : i32
        %dma_start3A_659 = tpu.memref_slice %arg6[%add3A_651, %dma_start3A_658] : memref<104x128xi32, #tpu.memory_space<vmem>> -> memref<1x128xi32, #tpu.memory_space<vmem>>
        %dma_start3A_660 = tpu.memref_squeeze %dma_start3A_659 : memref<1x128xi32, #tpu.memory_space<vmem>> -> memref<128xi32, #tpu.memory_space<vmem>>
        %dma_start3A_661 = arith.constant 0 : i32
        %dma_start3A_662 = arith.constant 0 : i32
        %dma_start3A_663 = tpu.memref_slice %arg3[%dma_start3A_652, %dma_start3A_661, %dma_start3A_662] : memref<26x100000x32xf32, #tpu.memory_space<hbm>> -> memref<1x100000x32xf32, #tpu.memory_space<hbm>>
        %dma_start3A_664 = tpu.memref_squeeze %dma_start3A_663 : memref<1x100000x32xf32, #tpu.memory_space<hbm>> -> memref<100000x32xf32, #tpu.memory_space<hbm>>
        %dma_start3A_665 = arith.constant 0 : i32
        %dma_start3A_666 = arith.constant 0 : i32
        %dma_start3A_667 = tpu.memref_slice %dma_start3A_664[%dma_start3A_665, %dma_start3A_666] : memref<100000x32xf32, #tpu.memory_space<hbm>> -> memref<100000x32xf32, #tpu.memory_space<hbm>>
        tpu.enqueue_indirect_dma source(%dma_start3A_667 : memref<100000x32xf32, #tpu.memory_space<hbm>>) target(%dma_start3A_657 : memref<128x32xf32, #tpu.memory_space<vmem>>) offsets(%dma_start3A_660 : memref<128xi32, #tpu.memory_space<vmem>>) semaphore(%arg8 : memref<!tpu.dma_semaphore, #tpu.memory_space<semaphore_mem>>)
      } else {
      }
      %mul3A_461 = arith.constant 8 : i32
      %mul3A_462 = arith.muli %scan3A_149, %mul3A_461 : i32
      %add3A_463 = arith.constant 1 : i32
      %add3A_464 = arith.addi %mul3A_462, %add3A_463 : i32
      %mul3A_465 = arith.constant 128 : i32
      %mul3A_466 = arith.muli %add3A_464, %mul3A_465 : i32
      %add3A_467 = arith.addi %mul3A_2, %mul3A_466 : i32
      %dma_wait3A_468 = arith.constant 1 : i32
      %dma_wait3A_469 = arith.constant 0 : i32
      %dma_wait3A_470 = arith.constant 0 : i32
      %dma_wait3A_471 = tpu.memref_slice %arg7[%dma_wait3A_468, %dma_wait3A_469, %dma_wait3A_470] : memref<8x128x32xf32, #tpu.memory_space<vmem>> -> memref<1x128x32xf32, #tpu.memory_space<vmem>>
      %dma_wait3A_472 = tpu.memref_squeeze %dma_wait3A_471 : memref<1x128x32xf32, #tpu.memory_space<vmem>> -> memref<128x32xf32, #tpu.memory_space<vmem>>
      %dma_wait3A_473 = arith.constant 0 : i32
      %dma_wait3A_474 = tpu.memref_slice %arg4[%add3A_467, %dma_wait3A_473] : memref<425984x32xf32, #tpu.memory_space<hbm>> -> memref<128x32xf32, #tpu.memory_space<hbm>>
      %dma_wait3A_475 = arith.constant 0 : i32
      %dma_wait3A_476 = tpu.memref_slice %arg4[%add3A_467, %dma_wait3A_475] : memref<425984x32xf32, #tpu.memory_space<hbm>> -> memref<128x32xf32, #tpu.memory_space<hbm>>
      %dma_wait3A_477 = arith.constant 0 : i32
      %dma_wait3A_478 = arith.constant 0 : i32
      %dma_wait3A_479 = tpu.memref_slice %arg7[%dma_wait3A_468, %dma_wait3A_477, %dma_wait3A_478] : memref<8x128x32xf32, #tpu.memory_space<vmem>> -> memref<1x128x32xf32, #tpu.memory_space<vmem>>
      %dma_wait3A_480 = tpu.memref_squeeze %dma_wait3A_479 : memref<1x128x32xf32, #tpu.memory_space<vmem>> -> memref<128x32xf32, #tpu.memory_space<vmem>>
      tpu.wait_dma2 semaphore(%arg17 : memref<!tpu.dma_semaphore, #tpu.memory_space<semaphore_mem>>) src(%dma_wait3A_480 : memref<128x32xf32, #tpu.memory_space<vmem>>) dst(%dma_wait3A_476 : memref<128x32xf32, #tpu.memory_space<hbm>>)
      %add3A_481 = arith.constant 8 : i32
      %add3A_482 = arith.addi %add3A_464, %add3A_481 : i32
      %lt3A_483 = arith.constant 104 : i32
      %lt3A_484 = arith.cmpi slt, %add3A_482, %lt3A_483 : i32
      %convert_element_type3A_485 = arith.extui %lt3A_484 : i1 to i32
      %cond3A_486 = arith.constant 0 : i32
      %cond3A_487 = arith.cmpi ne, %convert_element_type3A_485, %cond3A_486 : i32
      scf.if %cond3A_487 {
        %add3A_650 = arith.constant 8 : i32
        %add3A_651 = arith.addi %add3A_464, %add3A_650 : i32
        %dma_start3A_652 = arith.constant 0 : i32
        %dma_start3A_653 = arith.constant 1 : i32
        %dma_start3A_654 = arith.constant 0 : i32
        %dma_start3A_655 = arith.constant 0 : i32
        %dma_start3A_656 = tpu.memref_slice %arg7[%dma_start3A_653, %dma_start3A_654, %dma_start3A_655] : memref<8x128x32xf32, #tpu.memory_space<vmem>> -> memref<1x128x32xf32, #tpu.memory_space<vmem>>
        %dma_start3A_657 = tpu.memref_squeeze %dma_start3A_656 : memref<1x128x32xf32, #tpu.memory_space<vmem>> -> memref<128x32xf32, #tpu.memory_space<vmem>>
        %dma_start3A_658 = arith.constant 0 : i32
        %dma_start3A_659 = tpu.memref_slice %arg6[%add3A_651, %dma_start3A_658] : memref<104x128xi32, #tpu.memory_space<vmem>> -> memref<1x128xi32, #tpu.memory_space<vmem>>
        %dma_start3A_660 = tpu.memref_squeeze %dma_start3A_659 : memref<1x128xi32, #tpu.memory_space<vmem>> -> memref<128xi32, #tpu.memory_space<vmem>>
        %dma_start3A_661 = arith.constant 0 : i32
        %dma_start3A_662 = arith.constant 0 : i32
        %dma_start3A_663 = tpu.memref_slice %arg3[%dma_start3A_652, %dma_start3A_661, %dma_start3A_662] : memref<26x100000x32xf32, #tpu.memory_space<hbm>> -> memref<1x100000x32xf32, #tpu.memory_space<hbm>>
        %dma_start3A_664 = tpu.memref_squeeze %dma_start3A_663 : memref<1x100000x32xf32, #tpu.memory_space<hbm>> -> memref<100000x32xf32, #tpu.memory_space<hbm>>
        %dma_start3A_665 = arith.constant 0 : i32
        %dma_start3A_666 = arith.constant 0 : i32
        %dma_start3A_667 = tpu.memref_slice %dma_start3A_664[%dma_start3A_665, %dma_start3A_666] : memref<100000x32xf32, #tpu.memory_space<hbm>> -> memref<100000x32xf32, #tpu.memory_space<hbm>>
        tpu.enqueue_indirect_dma source(%dma_start3A_667 : memref<100000x32xf32, #tpu.memory_space<hbm>>) target(%dma_start3A_657 : memref<128x32xf32, #tpu.memory_space<vmem>>) offsets(%dma_start3A_660 : memref<128xi32, #tpu.memory_space<vmem>>) semaphore(%arg9 : memref<!tpu.dma_semaphore, #tpu.memory_space<semaphore_mem>>)
      } else {
      }
      %mul3A_488 = arith.constant 8 : i32
      %mul3A_489 = arith.muli %scan3A_149, %mul3A_488 : i32
      %add3A_490 = arith.constant 2 : i32
      %add3A_491 = arith.addi %mul3A_489, %add3A_490 : i32
      %mul3A_492 = arith.constant 128 : i32
      %mul3A_493 = arith.muli %add3A_491, %mul3A_492 : i32
      %add3A_494 = arith.addi %mul3A_2, %mul3A_493 : i32
      %dma_wait3A_495 = arith.constant 2 : i32
      %dma_wait3A_496 = arith.constant 0 : i32
      %dma_wait3A_497 = arith.constant 0 : i32
      %dma_wait3A_498 = tpu.memref_slice %arg7[%dma_wait3A_495, %dma_wait3A_496, %dma_wait3A_497] : memref<8x128x32xf32, #tpu.memory_space<vmem>> -> memref<1x128x32xf32, #tpu.memory_space<vmem>>
      %dma_wait3A_499 = tpu.memref_squeeze %dma_wait3A_498 : memref<1x128x32xf32, #tpu.memory_space<vmem>> -> memref<128x32xf32, #tpu.memory_space<vmem>>
      %dma_wait3A_500 = arith.constant 0 : i32
      %dma_wait3A_501 = tpu.memref_slice %arg4[%add3A_494, %dma_wait3A_500] : memref<425984x32xf32, #tpu.memory_space<hbm>> -> memref<128x32xf32, #tpu.memory_space<hbm>>
      %dma_wait3A_502 = arith.constant 0 : i32
      %dma_wait3A_503 = tpu.memref_slice %arg4[%add3A_494, %dma_wait3A_502] : memref<425984x32xf32, #tpu.memory_space<hbm>> -> memref<128x32xf32, #tpu.memory_space<hbm>>
      %dma_wait3A_504 = arith.constant 0 : i32
      %dma_wait3A_505 = arith.constant 0 : i32
      %dma_wait3A_506 = tpu.memref_slice %arg7[%dma_wait3A_495, %dma_wait3A_504, %dma_wait3A_505] : memref<8x128x32xf32, #tpu.memory_space<vmem>> -> memref<1x128x32xf32, #tpu.memory_space<vmem>>
      %dma_wait3A_507 = tpu.memref_squeeze %dma_wait3A_506 : memref<1x128x32xf32, #tpu.memory_space<vmem>> -> memref<128x32xf32, #tpu.memory_space<vmem>>
      tpu.wait_dma2 semaphore(%arg18 : memref<!tpu.dma_semaphore, #tpu.memory_space<semaphore_mem>>) src(%dma_wait3A_507 : memref<128x32xf32, #tpu.memory_space<vmem>>) dst(%dma_wait3A_503 : memref<128x32xf32, #tpu.memory_space<hbm>>)
      %add3A_508 = arith.constant 8 : i32
      %add3A_509 = arith.addi %add3A_491, %add3A_508 : i32
      %lt3A_510 = arith.constant 104 : i32
      %lt3A_511 = arith.cmpi slt, %add3A_509, %lt3A_510 : i32
      %convert_element_type3A_512 = arith.extui %lt3A_511 : i1 to i32
      %cond3A_513 = arith.constant 0 : i32
      %cond3A_514 = arith.cmpi ne, %convert_element_type3A_512, %cond3A_513 : i32
      scf.if %cond3A_514 {
        %add3A_650 = arith.constant 8 : i32
        %add3A_651 = arith.addi %add3A_491, %add3A_650 : i32
        %dma_start3A_652 = arith.constant 0 : i32
        %dma_start3A_653 = arith.constant 2 : i32
        %dma_start3A_654 = arith.constant 0 : i32
        %dma_start3A_655 = arith.constant 0 : i32
        %dma_start3A_656 = tpu.memref_slice %arg7[%dma_start3A_653, %dma_start3A_654, %dma_start3A_655] : memref<8x128x32xf32, #tpu.memory_space<vmem>> -> memref<1x128x32xf32, #tpu.memory_space<vmem>>
        %dma_start3A_657 = tpu.memref_squeeze %dma_start3A_656 : memref<1x128x32xf32, #tpu.memory_space<vmem>> -> memref<128x32xf32, #tpu.memory_space<vmem>>
        %dma_start3A_658 = arith.constant 0 : i32
        %dma_start3A_659 = tpu.memref_slice %arg6[%add3A_651, %dma_start3A_658] : memref<104x128xi32, #tpu.memory_space<vmem>> -> memref<1x128xi32, #tpu.memory_space<vmem>>
        %dma_start3A_660 = tpu.memref_squeeze %dma_start3A_659 : memref<1x128xi32, #tpu.memory_space<vmem>> -> memref<128xi32, #tpu.memory_space<vmem>>
        %dma_start3A_661 = arith.constant 0 : i32
        %dma_start3A_662 = arith.constant 0 : i32
        %dma_start3A_663 = tpu.memref_slice %arg3[%dma_start3A_652, %dma_start3A_661, %dma_start3A_662] : memref<26x100000x32xf32, #tpu.memory_space<hbm>> -> memref<1x100000x32xf32, #tpu.memory_space<hbm>>
        %dma_start3A_664 = tpu.memref_squeeze %dma_start3A_663 : memref<1x100000x32xf32, #tpu.memory_space<hbm>> -> memref<100000x32xf32, #tpu.memory_space<hbm>>
        %dma_start3A_665 = arith.constant 0 : i32
        %dma_start3A_666 = arith.constant 0 : i32
        %dma_start3A_667 = tpu.memref_slice %dma_start3A_664[%dma_start3A_665, %dma_start3A_666] : memref<100000x32xf32, #tpu.memory_space<hbm>> -> memref<100000x32xf32, #tpu.memory_space<hbm>>
        tpu.enqueue_indirect_dma source(%dma_start3A_667 : memref<100000x32xf32, #tpu.memory_space<hbm>>) target(%dma_start3A_657 : memref<128x32xf32, #tpu.memory_space<vmem>>) offsets(%dma_start3A_660 : memref<128xi32, #tpu.memory_space<vmem>>) semaphore(%arg10 : memref<!tpu.dma_semaphore, #tpu.memory_space<semaphore_mem>>)
      } else {
      }
      %mul3A_515 = arith.constant 8 : i32
      %mul3A_516 = arith.muli %scan3A_149, %mul3A_515 : i32
      %add3A_517 = arith.constant 3 : i32
      %add3A_518 = arith.addi %mul3A_516, %add3A_517 : i32
      %mul3A_519 = arith.constant 128 : i32
      %mul3A_520 = arith.muli %add3A_518, %mul3A_519 : i32
      %add3A_521 = arith.addi %mul3A_2, %mul3A_520 : i32
      %dma_wait3A_522 = arith.constant 3 : i32
      %dma_wait3A_523 = arith.constant 0 : i32
      %dma_wait3A_524 = arith.constant 0 : i32
      %dma_wait3A_525 = tpu.memref_slice %arg7[%dma_wait3A_522, %dma_wait3A_523, %dma_wait3A_524] : memref<8x128x32xf32, #tpu.memory_space<vmem>> -> memref<1x128x32xf32, #tpu.memory_space<vmem>>
      %dma_wait3A_526 = tpu.memref_squeeze %dma_wait3A_525 : memref<1x128x32xf32, #tpu.memory_space<vmem>> -> memref<128x32xf32, #tpu.memory_space<vmem>>
      %dma_wait3A_527 = arith.constant 0 : i32
      %dma_wait3A_528 = tpu.memref_slice %arg4[%add3A_521, %dma_wait3A_527] : memref<425984x32xf32, #tpu.memory_space<hbm>> -> memref<128x32xf32, #tpu.memory_space<hbm>>
      %dma_wait3A_529 = arith.constant 0 : i32
      %dma_wait3A_530 = tpu.memref_slice %arg4[%add3A_521, %dma_wait3A_529] : memref<425984x32xf32, #tpu.memory_space<hbm>> -> memref<128x32xf32, #tpu.memory_space<hbm>>
      %dma_wait3A_531 = arith.constant 0 : i32
      %dma_wait3A_532 = arith.constant 0 : i32
      %dma_wait3A_533 = tpu.memref_slice %arg7[%dma_wait3A_522, %dma_wait3A_531, %dma_wait3A_532] : memref<8x128x32xf32, #tpu.memory_space<vmem>> -> memref<1x128x32xf32, #tpu.memory_space<vmem>>
      %dma_wait3A_534 = tpu.memref_squeeze %dma_wait3A_533 : memref<1x128x32xf32, #tpu.memory_space<vmem>> -> memref<128x32xf32, #tpu.memory_space<vmem>>
      tpu.wait_dma2 semaphore(%arg19 : memref<!tpu.dma_semaphore, #tpu.memory_space<semaphore_mem>>) src(%dma_wait3A_534 : memref<128x32xf32, #tpu.memory_space<vmem>>) dst(%dma_wait3A_530 : memref<128x32xf32, #tpu.memory_space<hbm>>)
      %add3A_535 = arith.constant 8 : i32
      %add3A_536 = arith.addi %add3A_518, %add3A_535 : i32
      %lt3A_537 = arith.constant 104 : i32
      %lt3A_538 = arith.cmpi slt, %add3A_536, %lt3A_537 : i32
      %convert_element_type3A_539 = arith.extui %lt3A_538 : i1 to i32
      %cond3A_540 = arith.constant 0 : i32
      %cond3A_541 = arith.cmpi ne, %convert_element_type3A_539, %cond3A_540 : i32
      scf.if %cond3A_541 {
        %add3A_650 = arith.constant 8 : i32
        %add3A_651 = arith.addi %add3A_518, %add3A_650 : i32
        %dma_start3A_652 = arith.constant 0 : i32
        %dma_start3A_653 = arith.constant 3 : i32
        %dma_start3A_654 = arith.constant 0 : i32
        %dma_start3A_655 = arith.constant 0 : i32
        %dma_start3A_656 = tpu.memref_slice %arg7[%dma_start3A_653, %dma_start3A_654, %dma_start3A_655] : memref<8x128x32xf32, #tpu.memory_space<vmem>> -> memref<1x128x32xf32, #tpu.memory_space<vmem>>
        %dma_start3A_657 = tpu.memref_squeeze %dma_start3A_656 : memref<1x128x32xf32, #tpu.memory_space<vmem>> -> memref<128x32xf32, #tpu.memory_space<vmem>>
        %dma_start3A_658 = arith.constant 0 : i32
        %dma_start3A_659 = tpu.memref_slice %arg6[%add3A_651, %dma_start3A_658] : memref<104x128xi32, #tpu.memory_space<vmem>> -> memref<1x128xi32, #tpu.memory_space<vmem>>
        %dma_start3A_660 = tpu.memref_squeeze %dma_start3A_659 : memref<1x128xi32, #tpu.memory_space<vmem>> -> memref<128xi32, #tpu.memory_space<vmem>>
        %dma_start3A_661 = arith.constant 0 : i32
        %dma_start3A_662 = arith.constant 0 : i32
        %dma_start3A_663 = tpu.memref_slice %arg3[%dma_start3A_652, %dma_start3A_661, %dma_start3A_662] : memref<26x100000x32xf32, #tpu.memory_space<hbm>> -> memref<1x100000x32xf32, #tpu.memory_space<hbm>>
        %dma_start3A_664 = tpu.memref_squeeze %dma_start3A_663 : memref<1x100000x32xf32, #tpu.memory_space<hbm>> -> memref<100000x32xf32, #tpu.memory_space<hbm>>
        %dma_start3A_665 = arith.constant 0 : i32
        %dma_start3A_666 = arith.constant 0 : i32
        %dma_start3A_667 = tpu.memref_slice %dma_start3A_664[%dma_start3A_665, %dma_start3A_666] : memref<100000x32xf32, #tpu.memory_space<hbm>> -> memref<100000x32xf32, #tpu.memory_space<hbm>>
        tpu.enqueue_indirect_dma source(%dma_start3A_667 : memref<100000x32xf32, #tpu.memory_space<hbm>>) target(%dma_start3A_657 : memref<128x32xf32, #tpu.memory_space<vmem>>) offsets(%dma_start3A_660 : memref<128xi32, #tpu.memory_space<vmem>>) semaphore(%arg11 : memref<!tpu.dma_semaphore, #tpu.memory_space<semaphore_mem>>)
      } else {
      }
      %mul3A_542 = arith.constant 8 : i32
      %mul3A_543 = arith.muli %scan3A_149, %mul3A_542 : i32
      %add3A_544 = arith.constant 4 : i32
      %add3A_545 = arith.addi %mul3A_543, %add3A_544 : i32
      %mul3A_546 = arith.constant 128 : i32
      %mul3A_547 = arith.muli %add3A_545, %mul3A_546 : i32
      %add3A_548 = arith.addi %mul3A_2, %mul3A_547 : i32
      %dma_wait3A_549 = arith.constant 4 : i32
      %dma_wait3A_550 = arith.constant 0 : i32
      %dma_wait3A_551 = arith.constant 0 : i32
      %dma_wait3A_552 = tpu.memref_slice %arg7[%dma_wait3A_549, %dma_wait3A_550, %dma_wait3A_551] : memref<8x128x32xf32, #tpu.memory_space<vmem>> -> memref<1x128x32xf32, #tpu.memory_space<vmem>>
      %dma_wait3A_553 = tpu.memref_squeeze %dma_wait3A_552 : memref<1x128x32xf32, #tpu.memory_space<vmem>> -> memref<128x32xf32, #tpu.memory_space<vmem>>
      %dma_wait3A_554 = arith.constant 0 : i32
      %dma_wait3A_555 = tpu.memref_slice %arg4[%add3A_548, %dma_wait3A_554] : memref<425984x32xf32, #tpu.memory_space<hbm>> -> memref<128x32xf32, #tpu.memory_space<hbm>>
      %dma_wait3A_556 = arith.constant 0 : i32
      %dma_wait3A_557 = tpu.memref_slice %arg4[%add3A_548, %dma_wait3A_556] : memref<425984x32xf32, #tpu.memory_space<hbm>> -> memref<128x32xf32, #tpu.memory_space<hbm>>
      %dma_wait3A_558 = arith.constant 0 : i32
      %dma_wait3A_559 = arith.constant 0 : i32
      %dma_wait3A_560 = tpu.memref_slice %arg7[%dma_wait3A_549, %dma_wait3A_558, %dma_wait3A_559] : memref<8x128x32xf32, #tpu.memory_space<vmem>> -> memref<1x128x32xf32, #tpu.memory_space<vmem>>
      %dma_wait3A_561 = tpu.memref_squeeze %dma_wait3A_560 : memref<1x128x32xf32, #tpu.memory_space<vmem>> -> memref<128x32xf32, #tpu.memory_space<vmem>>
      tpu.wait_dma2 semaphore(%arg20 : memref<!tpu.dma_semaphore, #tpu.memory_space<semaphore_mem>>) src(%dma_wait3A_561 : memref<128x32xf32, #tpu.memory_space<vmem>>) dst(%dma_wait3A_557 : memref<128x32xf32, #tpu.memory_space<hbm>>)
      %add3A_562 = arith.constant 8 : i32
      %add3A_563 = arith.addi %add3A_545, %add3A_562 : i32
      %lt3A_564 = arith.constant 104 : i32
      %lt3A_565 = arith.cmpi slt, %add3A_563, %lt3A_564 : i32
      %convert_element_type3A_566 = arith.extui %lt3A_565 : i1 to i32
      %cond3A_567 = arith.constant 0 : i32
      %cond3A_568 = arith.cmpi ne, %convert_element_type3A_566, %cond3A_567 : i32
      scf.if %cond3A_568 {
        %add3A_650 = arith.constant 8 : i32
        %add3A_651 = arith.addi %add3A_545, %add3A_650 : i32
        %dma_start3A_652 = arith.constant 0 : i32
        %dma_start3A_653 = arith.constant 4 : i32
        %dma_start3A_654 = arith.constant 0 : i32
        %dma_start3A_655 = arith.constant 0 : i32
        %dma_start3A_656 = tpu.memref_slice %arg7[%dma_start3A_653, %dma_start3A_654, %dma_start3A_655] : memref<8x128x32xf32, #tpu.memory_space<vmem>> -> memref<1x128x32xf32, #tpu.memory_space<vmem>>
        %dma_start3A_657 = tpu.memref_squeeze %dma_start3A_656 : memref<1x128x32xf32, #tpu.memory_space<vmem>> -> memref<128x32xf32, #tpu.memory_space<vmem>>
        %dma_start3A_658 = arith.constant 0 : i32
        %dma_start3A_659 = tpu.memref_slice %arg6[%add3A_651, %dma_start3A_658] : memref<104x128xi32, #tpu.memory_space<vmem>> -> memref<1x128xi32, #tpu.memory_space<vmem>>
        %dma_start3A_660 = tpu.memref_squeeze %dma_start3A_659 : memref<1x128xi32, #tpu.memory_space<vmem>> -> memref<128xi32, #tpu.memory_space<vmem>>
        %dma_start3A_661 = arith.constant 0 : i32
        %dma_start3A_662 = arith.constant 0 : i32
        %dma_start3A_663 = tpu.memref_slice %arg3[%dma_start3A_652, %dma_start3A_661, %dma_start3A_662] : memref<26x100000x32xf32, #tpu.memory_space<hbm>> -> memref<1x100000x32xf32, #tpu.memory_space<hbm>>
        %dma_start3A_664 = tpu.memref_squeeze %dma_start3A_663 : memref<1x100000x32xf32, #tpu.memory_space<hbm>> -> memref<100000x32xf32, #tpu.memory_space<hbm>>
        %dma_start3A_665 = arith.constant 0 : i32
        %dma_start3A_666 = arith.constant 0 : i32
        %dma_start3A_667 = tpu.memref_slice %dma_start3A_664[%dma_start3A_665, %dma_start3A_666] : memref<100000x32xf32, #tpu.memory_space<hbm>> -> memref<100000x32xf32, #tpu.memory_space<hbm>>
        tpu.enqueue_indirect_dma source(%dma_start3A_667 : memref<100000x32xf32, #tpu.memory_space<hbm>>) target(%dma_start3A_657 : memref<128x32xf32, #tpu.memory_space<vmem>>) offsets(%dma_start3A_660 : memref<128xi32, #tpu.memory_space<vmem>>) semaphore(%arg12 : memref<!tpu.dma_semaphore, #tpu.memory_space<semaphore_mem>>)
      } else {
      }
      %mul3A_569 = arith.constant 8 : i32
      %mul3A_570 = arith.muli %scan3A_149, %mul3A_569 : i32
      %add3A_571 = arith.constant 5 : i32
      %add3A_572 = arith.addi %mul3A_570, %add3A_571 : i32
      %mul3A_573 = arith.constant 128 : i32
      %mul3A_574 = arith.muli %add3A_572, %mul3A_573 : i32
      %add3A_575 = arith.addi %mul3A_2, %mul3A_574 : i32
      %dma_wait3A_576 = arith.constant 5 : i32
      %dma_wait3A_577 = arith.constant 0 : i32
      %dma_wait3A_578 = arith.constant 0 : i32
      %dma_wait3A_579 = tpu.memref_slice %arg7[%dma_wait3A_576, %dma_wait3A_577, %dma_wait3A_578] : memref<8x128x32xf32, #tpu.memory_space<vmem>> -> memref<1x128x32xf32, #tpu.memory_space<vmem>>
      %dma_wait3A_580 = tpu.memref_squeeze %dma_wait3A_579 : memref<1x128x32xf32, #tpu.memory_space<vmem>> -> memref<128x32xf32, #tpu.memory_space<vmem>>
      %dma_wait3A_581 = arith.constant 0 : i32
      %dma_wait3A_582 = tpu.memref_slice %arg4[%add3A_575, %dma_wait3A_581] : memref<425984x32xf32, #tpu.memory_space<hbm>> -> memref<128x32xf32, #tpu.memory_space<hbm>>
      %dma_wait3A_583 = arith.constant 0 : i32
      %dma_wait3A_584 = tpu.memref_slice %arg4[%add3A_575, %dma_wait3A_583] : memref<425984x32xf32, #tpu.memory_space<hbm>> -> memref<128x32xf32, #tpu.memory_space<hbm>>
      %dma_wait3A_585 = arith.constant 0 : i32
      %dma_wait3A_586 = arith.constant 0 : i32
      %dma_wait3A_587 = tpu.memref_slice %arg7[%dma_wait3A_576, %dma_wait3A_585, %dma_wait3A_586] : memref<8x128x32xf32, #tpu.memory_space<vmem>> -> memref<1x128x32xf32, #tpu.memory_space<vmem>>
      %dma_wait3A_588 = tpu.memref_squeeze %dma_wait3A_587 : memref<1x128x32xf32, #tpu.memory_space<vmem>> -> memref<128x32xf32, #tpu.memory_space<vmem>>
      tpu.wait_dma2 semaphore(%arg21 : memref<!tpu.dma_semaphore, #tpu.memory_space<semaphore_mem>>) src(%dma_wait3A_588 : memref<128x32xf32, #tpu.memory_space<vmem>>) dst(%dma_wait3A_584 : memref<128x32xf32, #tpu.memory_space<hbm>>)
      %add3A_589 = arith.constant 8 : i32
      %add3A_590 = arith.addi %add3A_572, %add3A_589 : i32
      %lt3A_591 = arith.constant 104 : i32
      %lt3A_592 = arith.cmpi slt, %add3A_590, %lt3A_591 : i32
      %convert_element_type3A_593 = arith.extui %lt3A_592 : i1 to i32
      %cond3A_594 = arith.constant 0 : i32
      %cond3A_595 = arith.cmpi ne, %convert_element_type3A_593, %cond3A_594 : i32
      scf.if %cond3A_595 {
        %add3A_650 = arith.constant 8 : i32
        %add3A_651 = arith.addi %add3A_572, %add3A_650 : i32
        %dma_start3A_652 = arith.constant 0 : i32
        %dma_start3A_653 = arith.constant 5 : i32
        %dma_start3A_654 = arith.constant 0 : i32
        %dma_start3A_655 = arith.constant 0 : i32
        %dma_start3A_656 = tpu.memref_slice %arg7[%dma_start3A_653, %dma_start3A_654, %dma_start3A_655] : memref<8x128x32xf32, #tpu.memory_space<vmem>> -> memref<1x128x32xf32, #tpu.memory_space<vmem>>
        %dma_start3A_657 = tpu.memref_squeeze %dma_start3A_656 : memref<1x128x32xf32, #tpu.memory_space<vmem>> -> memref<128x32xf32, #tpu.memory_space<vmem>>
        %dma_start3A_658 = arith.constant 0 : i32
        %dma_start3A_659 = tpu.memref_slice %arg6[%add3A_651, %dma_start3A_658] : memref<104x128xi32, #tpu.memory_space<vmem>> -> memref<1x128xi32, #tpu.memory_space<vmem>>
        %dma_start3A_660 = tpu.memref_squeeze %dma_start3A_659 : memref<1x128xi32, #tpu.memory_space<vmem>> -> memref<128xi32, #tpu.memory_space<vmem>>
        %dma_start3A_661 = arith.constant 0 : i32
        %dma_start3A_662 = arith.constant 0 : i32
        %dma_start3A_663 = tpu.memref_slice %arg3[%dma_start3A_652, %dma_start3A_661, %dma_start3A_662] : memref<26x100000x32xf32, #tpu.memory_space<hbm>> -> memref<1x100000x32xf32, #tpu.memory_space<hbm>>
        %dma_start3A_664 = tpu.memref_squeeze %dma_start3A_663 : memref<1x100000x32xf32, #tpu.memory_space<hbm>> -> memref<100000x32xf32, #tpu.memory_space<hbm>>
        %dma_start3A_665 = arith.constant 0 : i32
        %dma_start3A_666 = arith.constant 0 : i32
        %dma_start3A_667 = tpu.memref_slice %dma_start3A_664[%dma_start3A_665, %dma_start3A_666] : memref<100000x32xf32, #tpu.memory_space<hbm>> -> memref<100000x32xf32, #tpu.memory_space<hbm>>
        tpu.enqueue_indirect_dma source(%dma_start3A_667 : memref<100000x32xf32, #tpu.memory_space<hbm>>) target(%dma_start3A_657 : memref<128x32xf32, #tpu.memory_space<vmem>>) offsets(%dma_start3A_660 : memref<128xi32, #tpu.memory_space<vmem>>) semaphore(%arg13 : memref<!tpu.dma_semaphore, #tpu.memory_space<semaphore_mem>>)
      } else {
      }
      %mul3A_596 = arith.constant 8 : i32
      %mul3A_597 = arith.muli %scan3A_149, %mul3A_596 : i32
      %add3A_598 = arith.constant 6 : i32
      %add3A_599 = arith.addi %mul3A_597, %add3A_598 : i32
      %mul3A_600 = arith.constant 128 : i32
      %mul3A_601 = arith.muli %add3A_599, %mul3A_600 : i32
      %add3A_602 = arith.addi %mul3A_2, %mul3A_601 : i32
      %dma_wait3A_603 = arith.constant 6 : i32
      %dma_wait3A_604 = arith.constant 0 : i32
      %dma_wait3A_605 = arith.constant 0 : i32
      %dma_wait3A_606 = tpu.memref_slice %arg7[%dma_wait3A_603, %dma_wait3A_604, %dma_wait3A_605] : memref<8x128x32xf32, #tpu.memory_space<vmem>> -> memref<1x128x32xf32, #tpu.memory_space<vmem>>
      %dma_wait3A_607 = tpu.memref_squeeze %dma_wait3A_606 : memref<1x128x32xf32, #tpu.memory_space<vmem>> -> memref<128x32xf32, #tpu.memory_space<vmem>>
      %dma_wait3A_608 = arith.constant 0 : i32
      %dma_wait3A_609 = tpu.memref_slice %arg4[%add3A_602, %dma_wait3A_608] : memref<425984x32xf32, #tpu.memory_space<hbm>> -> memref<128x32xf32, #tpu.memory_space<hbm>>
      %dma_wait3A_610 = arith.constant 0 : i32
      %dma_wait3A_611 = tpu.memref_slice %arg4[%add3A_602, %dma_wait3A_610] : memref<425984x32xf32, #tpu.memory_space<hbm>> -> memref<128x32xf32, #tpu.memory_space<hbm>>
      %dma_wait3A_612 = arith.constant 0 : i32
      %dma_wait3A_613 = arith.constant 0 : i32
      %dma_wait3A_614 = tpu.memref_slice %arg7[%dma_wait3A_603, %dma_wait3A_612, %dma_wait3A_613] : memref<8x128x32xf32, #tpu.memory_space<vmem>> -> memref<1x128x32xf32, #tpu.memory_space<vmem>>
      %dma_wait3A_615 = tpu.memref_squeeze %dma_wait3A_614 : memref<1x128x32xf32, #tpu.memory_space<vmem>> -> memref<128x32xf32, #tpu.memory_space<vmem>>
      tpu.wait_dma2 semaphore(%arg22 : memref<!tpu.dma_semaphore, #tpu.memory_space<semaphore_mem>>) src(%dma_wait3A_615 : memref<128x32xf32, #tpu.memory_space<vmem>>) dst(%dma_wait3A_611 : memref<128x32xf32, #tpu.memory_space<hbm>>)
      %add3A_616 = arith.constant 8 : i32
      %add3A_617 = arith.addi %add3A_599, %add3A_616 : i32
      %lt3A_618 = arith.constant 104 : i32
      %lt3A_619 = arith.cmpi slt, %add3A_617, %lt3A_618 : i32
      %convert_element_type3A_620 = arith.extui %lt3A_619 : i1 to i32
      %cond3A_621 = arith.constant 0 : i32
      %cond3A_622 = arith.cmpi ne, %convert_element_type3A_620, %cond3A_621 : i32
      scf.if %cond3A_622 {
        %add3A_650 = arith.constant 8 : i32
        %add3A_651 = arith.addi %add3A_599, %add3A_650 : i32
        %dma_start3A_652 = arith.constant 0 : i32
        %dma_start3A_653 = arith.constant 6 : i32
        %dma_start3A_654 = arith.constant 0 : i32
        %dma_start3A_655 = arith.constant 0 : i32
        %dma_start3A_656 = tpu.memref_slice %arg7[%dma_start3A_653, %dma_start3A_654, %dma_start3A_655] : memref<8x128x32xf32, #tpu.memory_space<vmem>> -> memref<1x128x32xf32, #tpu.memory_space<vmem>>
        %dma_start3A_657 = tpu.memref_squeeze %dma_start3A_656 : memref<1x128x32xf32, #tpu.memory_space<vmem>> -> memref<128x32xf32, #tpu.memory_space<vmem>>
        %dma_start3A_658 = arith.constant 0 : i32
        %dma_start3A_659 = tpu.memref_slice %arg6[%add3A_651, %dma_start3A_658] : memref<104x128xi32, #tpu.memory_space<vmem>> -> memref<1x128xi32, #tpu.memory_space<vmem>>
        %dma_start3A_660 = tpu.memref_squeeze %dma_start3A_659 : memref<1x128xi32, #tpu.memory_space<vmem>> -> memref<128xi32, #tpu.memory_space<vmem>>
        %dma_start3A_661 = arith.constant 0 : i32
        %dma_start3A_662 = arith.constant 0 : i32
        %dma_start3A_663 = tpu.memref_slice %arg3[%dma_start3A_652, %dma_start3A_661, %dma_start3A_662] : memref<26x100000x32xf32, #tpu.memory_space<hbm>> -> memref<1x100000x32xf32, #tpu.memory_space<hbm>>
        %dma_start3A_664 = tpu.memref_squeeze %dma_start3A_663 : memref<1x100000x32xf32, #tpu.memory_space<hbm>> -> memref<100000x32xf32, #tpu.memory_space<hbm>>
        %dma_start3A_665 = arith.constant 0 : i32
        %dma_start3A_666 = arith.constant 0 : i32
        %dma_start3A_667 = tpu.memref_slice %dma_start3A_664[%dma_start3A_665, %dma_start3A_666] : memref<100000x32xf32, #tpu.memory_space<hbm>> -> memref<100000x32xf32, #tpu.memory_space<hbm>>
        tpu.enqueue_indirect_dma source(%dma_start3A_667 : memref<100000x32xf32, #tpu.memory_space<hbm>>) target(%dma_start3A_657 : memref<128x32xf32, #tpu.memory_space<vmem>>) offsets(%dma_start3A_660 : memref<128xi32, #tpu.memory_space<vmem>>) semaphore(%arg14 : memref<!tpu.dma_semaphore, #tpu.memory_space<semaphore_mem>>)
      } else {
      }
      %mul3A_623 = arith.constant 8 : i32
      %mul3A_624 = arith.muli %scan3A_149, %mul3A_623 : i32
      %add3A_625 = arith.constant 7 : i32
      %add3A_626 = arith.addi %mul3A_624, %add3A_625 : i32
      %mul3A_627 = arith.constant 128 : i32
      %mul3A_628 = arith.muli %add3A_626, %mul3A_627 : i32
      %add3A_629 = arith.addi %mul3A_2, %mul3A_628 : i32
      %dma_wait3A_630 = arith.constant 7 : i32
      %dma_wait3A_631 = arith.constant 0 : i32
      %dma_wait3A_632 = arith.constant 0 : i32
      %dma_wait3A_633 = tpu.memref_slice %arg7[%dma_wait3A_630, %dma_wait3A_631, %dma_wait3A_632] : memref<8x128x32xf32, #tpu.memory_space<vmem>> -> memref<1x128x32xf32, #tpu.memory_space<vmem>>
      %dma_wait3A_634 = tpu.memref_squeeze %dma_wait3A_633 : memref<1x128x32xf32, #tpu.memory_space<vmem>> -> memref<128x32xf32, #tpu.memory_space<vmem>>
      %dma_wait3A_635 = arith.constant 0 : i32
      %dma_wait3A_636 = tpu.memref_slice %arg4[%add3A_629, %dma_wait3A_635] : memref<425984x32xf32, #tpu.memory_space<hbm>> -> memref<128x32xf32, #tpu.memory_space<hbm>>
      %dma_wait3A_637 = arith.constant 0 : i32
      %dma_wait3A_638 = tpu.memref_slice %arg4[%add3A_629, %dma_wait3A_637] : memref<425984x32xf32, #tpu.memory_space<hbm>> -> memref<128x32xf32, #tpu.memory_space<hbm>>
      %dma_wait3A_639 = arith.constant 0 : i32
      %dma_wait3A_640 = arith.constant 0 : i32
      %dma_wait3A_641 = tpu.memref_slice %arg7[%dma_wait3A_630, %dma_wait3A_639, %dma_wait3A_640] : memref<8x128x32xf32, #tpu.memory_space<vmem>> -> memref<1x128x32xf32, #tpu.memory_space<vmem>>
      %dma_wait3A_642 = tpu.memref_squeeze %dma_wait3A_641 : memref<1x128x32xf32, #tpu.memory_space<vmem>> -> memref<128x32xf32, #tpu.memory_space<vmem>>
      tpu.wait_dma2 semaphore(%arg23 : memref<!tpu.dma_semaphore, #tpu.memory_space<semaphore_mem>>) src(%dma_wait3A_642 : memref<128x32xf32, #tpu.memory_space<vmem>>) dst(%dma_wait3A_638 : memref<128x32xf32, #tpu.memory_space<hbm>>)
      %add3A_643 = arith.constant 8 : i32
      %add3A_644 = arith.addi %add3A_626, %add3A_643 : i32
      %lt3A_645 = arith.constant 104 : i32
      %lt3A_646 = arith.cmpi slt, %add3A_644, %lt3A_645 : i32
      %convert_element_type3A_647 = arith.extui %lt3A_646 : i1 to i32
      %cond3A_648 = arith.constant 0 : i32
      %cond3A_649 = arith.cmpi ne, %convert_element_type3A_647, %cond3A_648 : i32
      scf.if %cond3A_649 {
        %add3A_650 = arith.constant 8 : i32
        %add3A_651 = arith.addi %add3A_626, %add3A_650 : i32
        %dma_start3A_652 = arith.constant 0 : i32
        %dma_start3A_653 = arith.constant 7 : i32
        %dma_start3A_654 = arith.constant 0 : i32
        %dma_start3A_655 = arith.constant 0 : i32
        %dma_start3A_656 = tpu.memref_slice %arg7[%dma_start3A_653, %dma_start3A_654, %dma_start3A_655] : memref<8x128x32xf32, #tpu.memory_space<vmem>> -> memref<1x128x32xf32, #tpu.memory_space<vmem>>
        %dma_start3A_657 = tpu.memref_squeeze %dma_start3A_656 : memref<1x128x32xf32, #tpu.memory_space<vmem>> -> memref<128x32xf32, #tpu.memory_space<vmem>>
        %dma_start3A_658 = arith.constant 0 : i32
        %dma_start3A_659 = tpu.memref_slice %arg6[%add3A_651, %dma_start3A_658] : memref<104x128xi32, #tpu.memory_space<vmem>> -> memref<1x128xi32, #tpu.memory_space<vmem>>
        %dma_start3A_660 = tpu.memref_squeeze %dma_start3A_659 : memref<1x128xi32, #tpu.memory_space<vmem>> -> memref<128xi32, #tpu.memory_space<vmem>>
        %dma_start3A_661 = arith.constant 0 : i32
        %dma_start3A_662 = arith.constant 0 : i32
        %dma_start3A_663 = tpu.memref_slice %arg3[%dma_start3A_652, %dma_start3A_661, %dma_start3A_662] : memref<26x100000x32xf32, #tpu.memory_space<hbm>> -> memref<1x100000x32xf32, #tpu.memory_space<hbm>>
        %dma_start3A_664 = tpu.memref_squeeze %dma_start3A_663 : memref<1x100000x32xf32, #tpu.memory_space<hbm>> -> memref<100000x32xf32, #tpu.memory_space<hbm>>
        %dma_start3A_665 = arith.constant 0 : i32
        %dma_start3A_666 = arith.constant 0 : i32
        %dma_start3A_667 = tpu.memref_slice %dma_start3A_664[%dma_start3A_665, %dma_start3A_666] : memref<100000x32xf32, #tpu.memory_space<hbm>> -> memref<100000x32xf32, #tpu.memory_space<hbm>>
        tpu.enqueue_indirect_dma source(%dma_start3A_667 : memref<100000x32xf32, #tpu.memory_space<hbm>>) target(%dma_start3A_657 : memref<128x32xf32, #tpu.memory_space<vmem>>) offsets(%dma_start3A_660 : memref<128xi32, #tpu.memory_space<vmem>>) semaphore(%arg15 : memref<!tpu.dma_semaphore, #tpu.memory_space<semaphore_mem>>)
      } else {
      }
    }
    %scan3A_148 = arith.constant 13 : i32
    return
  }
}

</mosaic_0001>

<sc_bundles>
// kernel: kernel.3.cloned.1.call-start
scs
__scs_entry_jumppad:
0x0: {  	(pc) =	sbr.rel $0x88, $3  }
0x1: {  	(tag) =	ssettag $0x0;
	lr =	simm.s32 $0x1  }
0x2: {  	[smem:$0x3F9F] =	sst lr;
	_ =	strace $0xD0000000  }
0x3: {  	_ = 	snop  }
0x4: {  	_ = 	snop  }
0x5: {  	_ = 	snop  }
0x6: {  	_ = 	snop  }
0x7: {  	_ = 	snop  }
__scs_overlays_trampoline_lowered:
0x8: {  	[smem:$0x3FAE] =	sst s0  }
0x9: {  	[smem:$0x3FAF] =	sst s1  }
0xa: {  	[smem:$0x3FB0] =	sst s2  }
0xb: {  	[smem:$0x3FB1] =	sst s3  }
0xc: {  	[smem:$0x3FB2] =	sst s4  }
0xd: {  	[smem:$0x3FB3] =	sst s5  }
0xe: {  	[smem:$0x3FB4] =	sst s6  }
0xf: {  	[smem:$0x3FB5] =	sst s7  }
0x10: {  	[smem:$0x3FB6] =	sst s8  }
0x11: {  	[smem:$0x3FB7] =	sst s9;
	s0 =	simm.s32 @!p0 $0x0  }
0x12: {  	s1 =	sld [smem:$0x3F9D];
	s0 =	simm.s32 @p0 $0x1  }
0x13: {  	[smem:$0x3FB8] =	sst s0;
	s0 =	simm.s32 @!p1 $0x0  }
0x14: {  	s2 =	sld [smem:$0x3F9C];
	s0 =	simm.s32 @p1 $0x1  }
0x15: {  	[smem:$0x3FB9] =	sst s0;
	s0 =	simm.s32 @!p2 $0x0  }
0x16: {  	s3 =	sld [smem:$0x3FDB];
	s0 =	simm.s32 @p2 $0x1  }
0x17: {  	s4 =	simm.s32 $0x1BF5;
	[smem:$0x3FBB] =	sst s0  }
0x18: {  	s0 =	sld [smem:$0x3F9E];
	_ =	swait.ge [sflag:s4], $0x0  }
0x19: {  	s7 =	sld [smem:$0x3F9F]  }
0x1a: {  	s8 =	sadd.s32 $0xFFFFE003, lr  }
0x1b: {  	s9 =	sadd.s32 $0xFFFFFEF7, lr;
	s5 =	simm.s32 $0xFFFFFFFF;
	p2 =	slt.u32 s8, $0xFFFFF086  }
0x1c: {  	p1 =	slt.u32 s9, $0xF7A;
	s5 =	simm.s32 @!p2 $0x0  }
0x1d: {  	s5 =	simm.s32 @p1 $0x1;
	p0 =	seq.s32 s7, s2  }
0x1e: {  	s7 =	smul.u32 @!p0 $0xF7A, s2;
	p2 =	seq.s32 @!p0 s5, $0x0  }
0x1f: {  	s9 =	smul.u32 $0xF7A, s1;
	s8 =	simm.s32 @!p0 $0x1BF5;
	p2 =	por !p2, p0  }
0x20: {  	[sflag:s8] =	ssyncset.s32 @!p0 $0xFFFFF086;
	s6 =	sadd.s32 @!p0 s3, s7;
	s7 =	simm.s32 @!p0 $0x108  }
0x21: {  	s3 =	sadd.s32 s3, s9;
	s6 =	sadd.s32 @!p0 $0x88, s6;
	s7 =	simm.s32 @p2 $0x1082  }
0x22: {  	[simem:s7], [sflag:s8] =	dma.local @!p0 [hbm:s6], $0xF7A  }
0x23: {  	s9 =	sor.u32 $0xD0000000, s2;
	s6 =	simm.s32 $0x108;
	_ =	swait.ge @!p0 [sflag:s8], $0x0  }
0x24: {  	s3 =	sadd.s32 $0x88, s3;
	s6 =	simm.s32 @!p1 $0x1082;
	[sflag:s4] =	ssyncset.s32 $0xFFFFF086  }
0x25: {  	[simem:s6], [sflag:s4] =	dma.local [hbm:s3], $0xF7A  }
0x26: {  	[smem:$0x3F9F] =	sst s1;
	(tag) =	ssettag s2;
	_ =	strace s9  }
0x27: {  	s1 =	sld [smem:$0x3FAF]  }
0x28: {  	s2 =	sld [smem:$0x3FB0]  }
0x29: {  	s4 =	sld [smem:$0x3FB2]  }
0x2a: {  	p0 =	seq.s32 s5, $0x0;
	s5 =	sld [smem:$0x3FB3]  }
0x2b: {  	s6 =	sld [smem:$0x3FB4]  }
0x2c: {  	s7 =	sld [smem:$0x3FB5]  }
0x2d: {  	s3 =	simm.s32 $0x108;
	s8 =	sld [smem:$0x3FB6]  }
0x2e: {  	s3 =	simm.s32 @!p0 $0x1082;
	s9 =	sld [smem:$0x3FB7]  }
0x2f: {  	lr =	sadd.s32 s0, s3;
	s0 =	sld [smem:$0x3FAE]  }
0x30: {  	s3 =	sld [smem:$0x3FB1]  }
0x31: {  	[smem:$0x3FBA] =	sst s10  }
0x32: {  	s10 =	sld [smem:$0x3FB8];
	_ =	sdelay $0x3  }
0x33: {  	p0 =	seq.s32 s10, $0x1;
	s10 =	sld [smem:$0x3FBA];
	_ =	sdelay $0x3  }
0x34: {  	[smem:$0x3FBA] =	sst s10  }
0x35: {  	s10 =	sld [smem:$0x3FB9];
	_ =	sdelay $0x3  }
0x36: {  	p1 =	seq.s32 s10, $0x1;
	s10 =	sld [smem:$0x3FBA];
	_ =	sdelay $0x3  }
0x37: {  	[smem:$0x3FBA] =	sst s10  }
0x38: {  	s10 =	sld [smem:$0x3FBB]  }
0x39: {  	_ = 	snop;
	(pc) =	sbr.ind lr, $3  }
0x3a: {  	_ = 	snop  }
0x3b: {  	_ = 	snop  }
0x3c: {  	p2 =	seq.s32 s10, $0x1;
	s10 =	sld [smem:$0x3FBA]  }
0x3d: {  	_ =	shalt  }
0x3e: {  	_ =	shalt  }
0x3f: {  	_ =	shalt  }
0x40: {  	_ =	shalt  }
0x41: {  	_ =	shalt  }
0x42: {  	_ =	shalt  }
0x43: {  	_ =	shalt  }
0x44: {  	_ =	shalt  }
0x45: {  	_ =	shalt  }
0x46: {  	_ =	shalt  }
0x47: {  	_ =	shalt  }
0x48: {  	_ =	shalt  }
0x49: {  	_ =	shalt  }
0x4a: {  	_ =	shalt  }
0x4b: {  	_ =	shalt  }
0x4c: {  	_ =	shalt  }
0x4d: {  	_ =	shalt  }
0x4e: {  	_ =	shalt  }
0x4f: {  	_ =	shalt  }
0x50: {  	_ =	shalt  }
0x51: {  	_ =	shalt  }
0x52: {  	_ =	shalt  }
0x53: {  	_ =	shalt  }
0x54: {  	_ =	shalt  }
0x55: {  	_ =	shalt  }
0x56: {  	_ =	shalt  }
0x57: {  	_ =	shalt  }
0x58: {  	_ =	shalt  }
0x59: {  	_ =	shalt  }
0x5a: {  	_ =	shalt  }
0x5b: {  	_ =	shalt  }
0x5c: {  	_ =	shalt  }
0x5d: {  	_ =	shalt  }
0x5e: {  	_ =	shalt  }
0x5f: {  	_ =	shalt  }
0x60: {  	_ =	shalt  }
0x61: {  	_ =	shalt  }
0x62: {  	_ =	shalt  }
0x63: {  	_ =	shalt  }
0x64: {  	_ =	shalt  }
0x65: {  	_ =	shalt  }
0x66: {  	_ =	shalt  }
0x67: {  	_ =	shalt  }
0x68: {  	_ =	shalt  }
0x69: {  	_ =	shalt  }
0x6a: {  	_ =	shalt  }
0x6b: {  	_ =	shalt  }
0x6c: {  	_ =	shalt  }
0x6d: {  	_ =	shalt  }
0x6e: {  	_ =	shalt  }
0x6f: {  	_ =	shalt  }
0x70: {  	_ =	shalt  }
0x71: {  	_ =	shalt  }
0x72: {  	_ =	shalt  }
0x73: {  	_ =	shalt  }
0x74: {  	_ =	shalt  }
0x75: {  	_ =	shalt  }
0x76: {  	_ =	shalt  }
0x77: {  	_ =	shalt  }
0x78: {  	_ =	shalt  }
0x79: {  	_ =	shalt  }
0x7a: {  	_ =	shalt  }
0x7b: {  	_ =	shalt  }
0x7c: {  	_ =	shalt  }
0x7d: {  	_ =	shalt  }
0x7e: {  	_ =	shalt  }
0x7f: {  	_ =	shalt  }
0x80: {  	_ =	shalt  }
0x81: {  	_ =	shalt  }
0x82: {  	_ =	shalt  }
0x83: {  	_ =	shalt  }
0x84: {  	_ =	shalt  }
0x85: {  	_ =	shalt  }
0x86: {  	_ =	shalt  }
0x87: {  	_ =	shalt  }
.Lfunc_end0:
.L_simem_size_0:
called_computation.2_lowered:
.L_overlay_start_0:
0x88: {  	s2 =	sld [smem:$0x3FD9]  }
0x89: {  	s3 =	sld [smem:$0x3FFE];
	_ =	sdelay $0x1  }
0x8a: {  	s1 =	srdreg.scid  }
0x8b: {  	s0 =	sand.u32 $0x1, s1  }
0x8c: {  	s17 =	sshll.u32 s0, $0xA;
	s2 =	sadd.s32 s3, s2  }
0x8d: {  	s2 =	sadd.s32 s2, s17  }
0x8e: {  	[smem:$0x3FC6] =	sst s2  }
0x8f: {  	_ = 	snop  }
0x90: {  	s2 =	sld [smem:$0x3FD0];
	(tm) =	ssettm $0x1  }
0x91: {  	s18 =	sld [smem:$0x3FFB];
	_ =	sdelay $0x3  }
0x92: {  	_ =	strace s18  }
0x93: {  	s3 =	sld [smem:$0x3FFC];
	_ =	sdelay $0x3  }
0x94: {  	_ =	strace s3  }
0x95: {  	s3 =	sld [smem:$0x3FFD];
	_ =	sdelay $0x3  }
0x96: {  	_ =	strace s3  }
0x97: {  	_ =	strace $0x8FFFFFFF  }
0x98: {  	s19 =	sld [smem:$0x3FDB];
	_ =	sdelay $0x1  }
0x99: {  	s4 =	simm.s32 $_scs_section_size  }
0x9a: {  	s5 =	simm.s32 $_size__tile_overlayer_lowered;
	s6 =	simm.s32 $_tile_overlayer_lowered  }
0x9b: {  	s22 =	simm.s32 $0x1BFF;
	s21 =	sshll.u32 s6, $0x1;
	s3 =	sadd.s32 s4, s19  }
0x9c: {  	s7 =	simm.s32 $0x0;
	s20 =	sshll.u32 s5, $0x1;
	s5 =	sadd.s32 s21, s3  }
0x9d: {  	[timem:s7], [sflag:s22] =	dma.local [hbm:s5], s20  }
0x9e: {  	_ =	swait.ge [sflag:s22], s20  }
0x9f: {  	s4 =	ssub.s32 $0x0, s20;
	[sflag:s22] =	ssyncset.done $0x0  }
0xa0: {  	[sflag:s22] =	ssyncadd.s32 s4;
	_ =	sdelay $0x1  }
0xa1: {  	s23 =	simm.s32 $0x1B8B  }
0xa2: {  	_ =	swait.ge [sflag:s23], $0x1  }
0xa3: {  	[sflag:s23] =	ssyncset.done $0x0  }
0xa4: {  	s25 =	simm.s32 $0x1B8E;
	s24 =	sld [smem:$0x3FFE];
	[sflag:s23] =	ssyncadd.s32 $0xFFFFFFFF  }
0xa5: {  	s26 =	simm.s32 $execute0_lowered;
	[smem:$0x3FD2] =	sst s25  }
0xa6: {  	s5 =	sshll.u32 s26, $0x1;
	_ =	strace $0x80000049;
	[dreg:$0x1] =	wrdreg $0xFFFFFFFF  }
0xa7: {  	s28 =	simm.s32 $_size_execute0_lowered;
	s3 =	sadd.s32 s3, s5;
	[dreg:$0x0] =	wrdreg $0x0  }
0xa8: {  	s5 =	sshll.u32 s28, $0x1;
	[dreg:$0x2] =	wrdreg s3  }
0xa9: {  	[dreg:$0x3] =	wrdreg s5  }
0xaa: {  	[dreg:$0x4] =	wrdreg $0xC0  }
0xab: {  	_ =	task [dreg:s7], $0x5FFFF  }
0xac: {  	[dreg:$0x1] =	wrdreg $0xFFFFFFFF  }
0xad: {  	[dreg:$0x0] =	wrdreg $0x60  }
0xae: {  	[dreg:$0x2] =	wrdreg s24  }
0xaf: {  	[dreg:$0x3] =	wrdreg s2  }
0xb0: {  	[dreg:$0x4] =	wrdreg $0x9  }
0xb1: {  	_ =	task.clear_ibuf [dreg:s7], $0x5FFFF;
	_ =	strace $0x90000049  }
0xb2: {  	s29 =	simm.s32 $0x9;
	_ =	strace $0x8000004B  }
0xb3: {  	_ =	swait.ge [sflag:s29], $0x1  }
0xb4: {  	[sflag:s29] =	ssyncadd.s32 $0xFFFFFFFF  }
0xb5: {  	_ =	strace $0x9000004B  }
0xb6: {  	_ =	sfence  }
0xb7: {  	s30 =	sld [smem:$0x0];
	_ =	sdelay $0x2  }
0xb8: {  	s31 =	sshll.u32 s1, $0xD;
	s1 =	sshrl.u32 s1, $0x2  }
0xb9: {  	s3 =	sand.u32 $0x4000, s31;
	s1 =	sadd.s32 s1, s30  }
0xba: {  	s0 =	sor.u32 s3, s0;
	s1 =	sshll.u32 s1, $0x11  }
0xbb: {  	s0 =	sor.u32 s1, s0  }
0xbc: {  	s0 =	sadd.s32 $0x8F2B, s0  }
0xbd: {  	[sflag:s0] =	ssyncadd.remote.s32 $0x1  }
0xbe: {  	_ =	sfence.sel $0xFFFF  }
0xbf: {  	[dreg:$0x0] =	wrdreg $0xFFFFFFFF;
	(pc) =	sbr.abs _section_cstart, $3  }
0xc0: {  	[dreg:$0x1] =	wrdreg $0xFFFFFFFF  }
0xc1: {  	_ =	task.clear_ibuf [dreg:s7], $0x2FFFF;
	_ =	strace $0x9FFFFFFF  }
0xc2: {  	(tm) =	ssettm $0x7FFFFFFF  }
0xc3: {  	_ =	shalt  }
tec
execute0_lowered:
.L_overlay_start_1:
0x0: {  	(tag) =	ssettag $0x1  }
0x1: {  	s0 =	srdreg.scid  }
0x2: {  	s7 =	stileid.u32;
	s3 =	rddreg [dreg:$0x0]  }
0x3: {  	s4 =	rddreg [dreg:$0x1];
	s2 =	simm.s32 $0x0;
	s15 =	simm.s32 $0x80  }
0x4: {  	s19 =	simm.s32 $0x7800;
	s28 =	simm.s32 $0xB800;
	s30 =	simm.s32 $0xC800  }
0x5: {  	s16 =	simm.s32 $0x2;
	s18 =	simm.s32 $0x3;
	s29 =	simm.s32 $0x8  }
0x6: {  	s31 =	simm.s32 $0x9;
	s14 =	simm.s32 $0xC;
	s5 =	smul.u32 $0xD0000, s7  }
0x7: {  	s0 =	sand.u32 $0x1, s0;
	s1 =	sshll.u32 s7, $0x1;
	s7 =	smul.u32 $0x6800, s7  }
0x8: {  	s11 =	simm.s32 $0x0;
	[smem:$0x7FF] =	sst s2;
	s6 =	smul.u32 $0x68000, s0  }
0x9: {  	s1 =	sor.u32 s0, s1;
	s8 =	ssub.s32 $0x2, s0;
	s0 =	smul.u32 $0x3400, s0  }
0xa: {  	_ =	strace $0x8000004A;
	s1 =	smul.u32 $0x3400, s1;
	s9 =	sshrl.u32 s8, $0x1  }
0xb: {  	s8 =	ssub.s32 s8, s9;
	s5 =	sadd.s32 s6, s5;
	s0 =	sadd.s32 s0, s7  }
0xc: {  	s6 =	simm.s32 $0xD;
	s7 =	simm.s32 $0xE;
	s9 =	simm.s32 $0x10  }
0xd: {  	s1 =	sshrl.u32 s1, $0x3;
	s20 =	sshrl.u32 s5, $0x3;
	s0 =	sshll.u32 s0, $0x2  }
0xe: {  	s21 =	smax.u32 s8, $0x1;
	s5 =	simm.s32 $0xB;
	s8 =	simm.s32 $0xF  }
0xf: {  	s1 =	sadd.s32 s1, s3;
	[dreg:$0x4] =	wrdreg s21;
	s13 =	sadd.s32 s20, s4  }
0x10: {  	s0 =	sadd.s32 s0, s4;
	s1 =	sadd.s32 $0x27AD200, s1;
	[dreg:$0x5] =	wrdreg s13  }
0x11: {  	s3 =	sadd.s32 $0x27BA200, s3;
	s22 =	sadd.s32 $0xC00, s0;
	[dreg:$0x3] =	wrdreg s1  }
0x12: {  	s21 =	simm.s32 $0x8800;
	s23 =	sadd.s32 $0xA00, s0;
	[dreg:$0x7] =	wrdreg s22  }
0x13: {  	s20 =	simm.s32 $0x4;
	s24 =	sadd.s32 $0x800, s0;
	[dreg:$0x8] =	wrdreg s23  }
0x14: {  	s4 =	simm.s32 $0xA;
	s25 =	sadd.s32 $0x600, s0;
	[dreg:$0x9] =	wrdreg s24  }
.Ltmp0:
0x15: {  	s26 =	sadd.s32 $0x400, s0;
	[dreg:$0xa] =	wrdreg s25;
	(pc) =	sbr.rel .LBB2_1-.Ltmp0, $4  }
0x16: {  	s17 =	sadd.s32 $0xE00, s0;
	s0 =	sadd.s32 $0x200, s0;
	[dreg:$0xb] =	wrdreg s26  }
0x17: {  	[dreg:$0xc] =	wrdreg s0;
	s23 =	simm.s32 $0x9800;
	s25 =	simm.s32 $0xA800  }
0x18: {  	s1 =	simm.s32 $0xD800;
	s0 =	simm.s32 $0x1;
	s22 =	simm.s32 $0x5  }
0x19: {  	v0 =	vlaneseq.u32;
	s24 =	simm.s32 $0x6;
	s26 =	simm.s32 $0x7;
	[dreg:$0x6] =	wrdreg s17  }
.LBB2_6:
0x1a: {  	_ =	swait.ge [sflag:s4], $0x1000  }
0x1b: {  	[sflag:s4] =	ssyncset.done $0x0  }
0x1c: {  	[sflag:s4] =	ssyncadd.s32 $0xFFFFF000  }
0x1d: {  	_ =	swait.ge [sflag:s5], $0x1000  }
0x1e: {  	[sflag:s5] =	ssyncset.done $0x0  }
0x1f: {  	[sflag:s5] =	ssyncadd.s32 $0xFFFFF000  }
0x20: {  	_ =	swait.ge [sflag:s14], $0x1000  }
0x21: {  	[sflag:s14] =	ssyncset.done $0x0  }
0x22: {  	[sflag:s14] =	ssyncadd.s32 $0xFFFFF000  }
0x23: {  	_ =	swait.ge [sflag:s6], $0x1000  }
0x24: {  	[sflag:s6] =	ssyncset.done $0x0  }
0x25: {  	[sflag:s6] =	ssyncadd.s32 $0xFFFFF000  }
0x26: {  	_ =	swait.ge [sflag:s7], $0x1000  }
0x27: {  	[sflag:s7] =	ssyncset.done $0x0  }
0x28: {  	[sflag:s7] =	ssyncadd.s32 $0xFFFFF000  }
0x29: {  	_ =	swait.ge [sflag:s8], $0x1000  }
0x2a: {  	[sflag:s8] =	ssyncset.done $0x0  }
0x2b: {  	[sflag:s8] =	ssyncadd.s32 $0xFFFFF000  }
0x2c: {  	_ =	swait.ge [sflag:s9], $0x1000  }
0x2d: {  	s11 =	rddreg [dreg:$0xd]  }
0x2e: {  	s10 =	rddreg [dreg:$0x4];
	s11 =	sadd.s32 $0x1, s11  }
0x2f: {  	p0 =	sne.s32 s11, s10  }
.Ltmp1:
0x30: {  	_ = 	snop;
	(pc) =	sbr.rel @!p0 .LBB2_7-.Ltmp1, $3  }
0x31: {  	_ =	sdelay $0x1  }
0x32: {  	[sflag:s9] =	ssyncset.done $0x0  }
0x33: {  	[sflag:s9] =	ssyncadd.s32 $0xFFFFF000  }
.LBB2_1:
0x34: {  	[dreg:$0xd] =	wrdreg s11  }
0x35: {  	s10 =	simm.s32 $0x0;
	s17 =	rddreg [dreg:$0x3];
	s12 =	simm.s32 $0x11  }
0x36: {  	[tilespmem:s2], [sflag:$0x11] =	stream.linear.gather [hbm4b:s17+s2], $0x3400, $0x38;
	v1 =	vor.u32 s10, v0;
	[tilespmem:$0xE800] =	vst v63  }
0x37: {  	_ =	swait.ge [sflag:s12], $0x3400;
	v2 =	vmulhi.u32 $0x4EC4EC4F, v1  }
0x38: {  	[sflag:s12] =	ssyncset.done $0x0  }
0x39: {  	s11 =	simm.s32 $0x40;
	[sflag:s12] =	ssyncadd.s32 $0xFFFFCC00;
	v2 =	vshrl.u32 v2, $0x3  }
0x3a: {  	v2 =	vmul.u32 $0x1A, v2;
	v3 =	vld [tilespmem:s11+$0xFFFFFFC0];
	_ =	sdelay $0x1  }
0x3b: {  	s13 =	simm.s32 $0x10;
	v1 =	vsub.s32 v1, v2  }
0x3c: {  	v2 =	vor.u32 s13, v0;
	v1 =	vmul.u32 $0x186A0, v1  }
0x3d: {  	v4 =	vmulhi.u32 $0x4EC4EC4F, v2  }
0x3e: {  	s10 =	simm.s32 $0x3440;
	v1 =	vadd.s32 v1, v3  }
0x3f: {  	[tilespmem:s10+$0xFFFFFFC0] =	vst v1;
	v1 =	vshrl.u32 v4, $0x3  }
0x40: {  	v1 =	vmul.u32 $0x1A, v1;
	v3 =	vld [tilespmem:s11+$0xFFFFFFD0];
	_ =	sdelay $0x1  }
0x41: {  	s12 =	simm.s32 $0x20;
	v1 =	vsub.s32 v2, v1  }
0x42: {  	v2 =	vor.u32 s12, v0;
	v1 =	vmul.u32 $0x186A0, v1  }
0x43: {  	v58 =	vmulhi.u32 $0x4EC4EC4F, v2  }
0x44: {  	v1 =	vadd.s32 v1, v3  }
0x45: {  	[tilespmem:s10+$0xFFFFFFD0] =	vst v1;
	v1 =	vshrl.u32 v58, $0x3  }
0x46: {  	v1 =	vmul.u32 $0x1A, v1;
	v3 =	vld [tilespmem:s11+$0xFFFFFFE0];
	_ =	sdelay $0x1  }
0x47: {  	s17 =	simm.s32 $0x30;
	v1 =	vsub.s32 v2, v1  }
0x48: {  	v2 =	vor.u32 s17, v0;
	v1 =	vmul.u32 $0x186A0, v1  }
0x49: {  	v59 =	vmulhi.u32 $0x4EC4EC4F, v2  }
0x4a: {  	v1 =	vadd.s32 v1, v3  }
0x4b: {  	[tilespmem:s10+$0xFFFFFFE0] =	vst v1;
	v1 =	vshrl.u32 v59, $0x3  }
0x4c: {  	v1 =	vmul.u32 $0x1A, v1;
	v3 =	vld [tilespmem:s11+$0xFFFFFFF0];
	_ =	sdelay $0x1  }
0x4d: {  	s13 =	simm.s32 $0x40;
	v1 =	vsub.s32 v2, v1  }
0x4e: {  	v2 =	vor.u32 s13, v0;
	v1 =	vmul.u32 $0x186A0, v1  }
0x4f: {  	v60 =	vmulhi.u32 $0x4EC4EC4F, v2  }
0x50: {  	v1 =	vadd.s32 v1, v3  }
0x51: {  	[tilespmem:s10+$0xFFFFFFF0] =	vst v1;
	v1 =	vshrl.u32 v60, $0x3  }
0x52: {  	v1 =	vmul.u32 $0x1A, v1;
	v3 =	vld [tilespmem:s11+$0x0];
	_ =	sdelay $0x1  }
0x53: {  	s17 =	simm.s32 $0x50;
	v1 =	vsub.s32 v2, v1  }
0x54: {  	v2 =	vor.u32 s17, v0;
	v1 =	vmul.u32 $0x186A0, v1  }
0x55: {  	v61 =	vmulhi.u32 $0x4EC4EC4F, v2  }
0x56: {  	v1 =	vadd.s32 v1, v3  }
0x57: {  	[tilespmem:s10+$0x0] =	vst v1;
	v1 =	vshrl.u32 v61, $0x3  }
0x58: {  	v1 =	vmul.u32 $0x1A, v1;
	v3 =	vld [tilespmem:s11+$0x10];
	_ =	sdelay $0x1  }
0x59: {  	s13 =	simm.s32 $0x60;
	v1 =	vsub.s32 v2, v1  }
0x5a: {  	v2 =	vor.u32 s13, v0;
	v1 =	vmul.u32 $0x186A0, v1  }
0x5b: {  	v62 =	vmulhi.u32 $0x4EC4EC4F, v2  }
0x5c: {  	v1 =	vadd.s32 v1, v3  }
0x5d: {  	[tilespmem:s10+$0x10] =	vst v1;
	v1 =	vshrl.u32 v62, $0x3  }
0x5e: {  	v1 =	vmul.u32 $0x1A, v1;
	v3 =	vld [tilespmem:s11+$0x20];
	_ =	sdelay $0x1  }
0x5f: {  	s17 =	simm.s32 $0x70;
	v1 =	vsub.s32 v2, v1  }
0x60: {  	v63 =	vor.u32 s17, v0;
	v1 =	vmul.u32 $0x186A0, v1  }
0x61: {  	v2 =	vmulhi.u32 $0x4EC4EC4F, v63  }
0x62: {  	v1 =	vadd.s32 v1, v3  }
0x63: {  	v2 =	vshrl.u32 v2, $0x3;
	[tilespmem:s10+$0x20] =	vst v1  }
0x64: {  	v2 =	vmul.u32 $0x1A, v2;
	v1 =	vld [tilespmem:s11+$0x30];
	_ =	sdelay $0x1  }
0x65: {  	s12 =	simm.s32 $0xF0;
	s17 =	simm.s32 $0x80;
	s13 =	simm.s32 $0x170;
	v2 =	vsub.s32 v63, v2  }
.LBB2_2:
0x66: {  	p0 =	sne.s32 s13, $0x33F0;
	v3 =	vor.u32 s17, v0;
	v2 =	vmul.u32 $0x186A0, v2  }
0x67: {  	v4 =	vmulhi.u32 $0x4EC4EC4F, v3  }
0x68: {  	v1 =	vadd.s32 v2, v1  }
0x69: {  	s11 =	sadd.s32 $0x80, s11;
	v2 =	vshrl.u32 v4, $0x3;
	[tilespmem:s10+$0x30] =	vst v1  }
0x6a: {  	v1 =	vmul.u32 $0x1A, v2;
	v2 =	vld [tilespmem:s11+$0xFFFFFFC0];
	_ =	sdelay $0x1  }
0x6b: {  	s17 =	sadd.s32 $0xFFFFFFA0, s12;
	v1 =	vsub.s32 v3, v1  }
0x6c: {  	v3 =	vor.u32 s17, v0;
	v1 =	vmul.u32 $0x186A0, v1  }
0x6d: {  	v4 =	vmulhi.u32 $0x4EC4EC4F, v3  }
0x6e: {  	s10 =	sadd.s32 $0x80, s10;
	v1 =	vadd.s32 v1, v2  }
0x6f: {  	[tilespmem:s10+$0xFFFFFFC0] =	vst v1;
	v1 =	vshrl.u32 v4, $0x3  }
0x70: {  	v1 =	vmul.u32 $0x1A, v1;
	v2 =	vld [tilespmem:s11+$0xFFFFFFD0];
	_ =	sdelay $0x1  }
0x71: {  	s17 =	sadd.s32 $0xFFFFFFB0, s12;
	v1 =	vsub.s32 v3, v1  }
0x72: {  	v3 =	vor.u32 s17, v0;
	v1 =	vmul.u32 $0x186A0, v1  }
0x73: {  	v4 =	vmulhi.u32 $0x4EC4EC4F, v3  }
0x74: {  	v1 =	vadd.s32 v1, v2  }
0x75: {  	[tilespmem:s10+$0xFFFFFFD0] =	vst v1;
	v1 =	vshrl.u32 v4, $0x3  }
0x76: {  	v1 =	vmul.u32 $0x1A, v1;
	v2 =	vld [tilespmem:s11+$0xFFFFFFE0];
	_ =	sdelay $0x1  }
0x77: {  	s17 =	sadd.s32 $0xFFFFFFC0, s12;
	v1 =	vsub.s32 v3, v1  }
0x78: {  	v3 =	vor.u32 s17, v0;
	v1 =	vmul.u32 $0x186A0, v1  }
0x79: {  	v4 =	vmulhi.u32 $0x4EC4EC4F, v3  }
0x7a: {  	v1 =	vadd.s32 v1, v2  }
0x7b: {  	[tilespmem:s10+$0xFFFFFFE0] =	vst v1;
	v1 =	vshrl.u32 v4, $0x3  }
0x7c: {  	v1 =	vmul.u32 $0x1A, v1;
	v2 =	vld [tilespmem:s11+$0xFFFFFFF0];
	_ =	sdelay $0x1  }
0x7d: {  	s17 =	sadd.s32 $0xFFFFFFD0, s12;
	v1 =	vsub.s32 v3, v1  }
0x7e: {  	v3 =	vor.u32 s17, v0;
	v1 =	vmul.u32 $0x186A0, v1  }
0x7f: {  	v4 =	vmulhi.u32 $0x4EC4EC4F, v3  }
0x80: {  	v1 =	vadd.s32 v1, v2  }
0x81: {  	[tilespmem:s10+$0xFFFFFFF0] =	vst v1;
	v1 =	vshrl.u32 v4, $0x3  }
0x82: {  	v1 =	vmul.u32 $0x1A, v1;
	v2 =	vld [tilespmem:s11+$0x0];
	_ =	sdelay $0x1  }
0x83: {  	s17 =	sadd.s32 $0xFFFFFFE0, s12;
	v1 =	vsub.s32 v3, v1  }
0x84: {  	v3 =	vor.u32 s17, v0;
	v1 =	vmul.u32 $0x186A0, v1  }
0x85: {  	v4 =	vmulhi.u32 $0x4EC4EC4F, v3  }
0x86: {  	v1 =	vadd.s32 v1, v2  }
0x87: {  	[tilespmem:s10+$0x0] =	vst v1;
	v1 =	vshrl.u32 v4, $0x3  }
0x88: {  	v1 =	vmul.u32 $0x1A, v1;
	v2 =	vld [tilespmem:s11+$0x10];
	_ =	sdelay $0x1  }
0x89: {  	s17 =	sadd.s32 $0xFFFFFFF0, s12;
	v1 =	vsub.s32 v3, v1  }
0x8a: {  	v3 =	vor.u32 s17, v0;
	v1 =	vmul.u32 $0x186A0, v1  }
0x8b: {  	v4 =	vmulhi.u32 $0x4EC4EC4F, v3  }
0x8c: {  	v1 =	vadd.s32 v1, v2  }
0x8d: {  	[tilespmem:s10+$0x10] =	vst v1;
	v1 =	vshrl.u32 v4, $0x3  }
0x8e: {  	v1 =	vmul.u32 $0x1A, v1;
	v2 =	vld [tilespmem:s11+$0x20];
	_ =	sdelay $0x1  }
0x8f: {  	v1 =	vsub.s32 v3, v1  }
0x90: {  	v3 =	vor.u32 s12, v0;
	s12 =	smov.u32 s13;
	v1 =	vmul.u32 $0x186A0, v1  }
0x91: {  	v4 =	vmulhi.u32 $0x4EC4EC4F, v3  }
.Ltmp2:
0x92: {  	v1 =	vadd.s32 v1, v2;
	(pc) =	sbr.rel @p0 .LBB2_2-.Ltmp2, $3  }
0x93: {  	[tilespmem:s10+$0x20] =	vst v1;
	v1 =	vshrl.u32 v4, $0x3  }
0x94: {  	v2 =	vmul.u32 $0x1A, v1;
	v1 =	vld [tilespmem:s11+$0x30];
	_ =	sdelay $0x1  }
0x95: {  	s13 =	sadd.s32 $0x80, s13;
	s17 =	sadd.s32 $0xFFFFFF90, s12;
	v2 =	vsub.s32 v3, v2  }
0x96: {  	v3 =	vor.u32 s17, v0;
	v2 =	vmul.u32 $0x186A0, v2  }
0x97: {  	v4 =	vmulhi.u32 $0x4EC4EC4F, v3  }
0x98: {  	v1 =	vadd.s32 v2, v1  }
0x99: {  	s11 =	sadd.s32 $0x80, s11;
	v2 =	vshrl.u32 v4, $0x3;
	[tilespmem:s10+$0x30] =	vst v1  }
0x9a: {  	v1 =	vmul.u32 $0x1A, v2;
	v2 =	vld [tilespmem:s11+$0xFFFFFFC0];
	_ =	sdelay $0x1  }
0x9b: {  	s13 =	sadd.s32 $0xFFFFFFA0, s12;
	v1 =	vsub.s32 v3, v1  }
0x9c: {  	v3 =	vor.u32 s13, v0;
	v1 =	vmul.u32 $0x186A0, v1  }
0x9d: {  	v57 =	vmulhi.u32 $0x4EC4EC4F, v3  }
0x9e: {  	s10 =	sadd.s32 $0x80, s10;
	v1 =	vadd.s32 v1, v2  }
0x9f: {  	[tilespmem:s10+$0xFFFFFFC0] =	vst v1;
	v1 =	vshrl.u32 v57, $0x3  }
0xa0: {  	v1 =	vmul.u32 $0x1A, v1;
	v2 =	vld [tilespmem:s11+$0xFFFFFFD0];
	_ =	sdelay $0x1  }
0xa1: {  	s17 =	sadd.s32 $0xFFFFFFB0, s12;
	v1 =	vsub.s32 v3, v1  }
0xa2: {  	v3 =	vor.u32 s17, v0;
	v1 =	vmul.u32 $0x186A0, v1  }
0xa3: {  	v58 =	vmulhi.u32 $0x4EC4EC4F, v3  }
0xa4: {  	v1 =	vadd.s32 v1, v2  }
0xa5: {  	[tilespmem:s10+$0xFFFFFFD0] =	vst v1;
	v1 =	vshrl.u32 v58, $0x3  }
0xa6: {  	v1 =	vmul.u32 $0x1A, v1;
	v2 =	vld [tilespmem:s11+$0xFFFFFFE0];
	_ =	sdelay $0x1  }
0xa7: {  	s17 =	sadd.s32 $0xFFFFFFC0, s12;
	v1 =	vsub.s32 v3, v1  }
0xa8: {  	v3 =	vor.u32 s17, v0;
	v1 =	vmul.u32 $0x186A0, v1  }
0xa9: {  	v59 =	vmulhi.u32 $0x4EC4EC4F, v3  }
0xaa: {  	v1 =	vadd.s32 v1, v2  }
0xab: {  	[tilespmem:s10+$0xFFFFFFE0] =	vst v1;
	v1 =	vshrl.u32 v59, $0x3  }
0xac: {  	v1 =	vmul.u32 $0x1A, v1;
	v2 =	vld [tilespmem:s11+$0xFFFFFFF0];
	_ =	sdelay $0x1  }
0xad: {  	s17 =	sadd.s32 $0xFFFFFFD0, s12;
	v1 =	vsub.s32 v3, v1  }
0xae: {  	v3 =	vor.u32 s17, v0;
	v1 =	vmul.u32 $0x186A0, v1  }
0xaf: {  	v60 =	vmulhi.u32 $0x4EC4EC4F, v3  }
0xb0: {  	v1 =	vadd.s32 v1, v2  }
0xb1: {  	[tilespmem:s10+$0xFFFFFFF0] =	vst v1;
	v1 =	vshrl.u32 v60, $0x3  }
0xb2: {  	v1 =	vmul.u32 $0x1A, v1;
	v2 =	vld [tilespmem:s11+$0x0];
	_ =	sdelay $0x1  }
0xb3: {  	s17 =	sadd.s32 $0xFFFFFFE0, s12;
	v1 =	vsub.s32 v3, v1  }
0xb4: {  	v3 =	vor.u32 s17, v0;
	v1 =	vmul.u32 $0x186A0, v1  }
0xb5: {  	v61 =	vmulhi.u32 $0x4EC4EC4F, v3  }
0xb6: {  	v1 =	vadd.s32 v1, v2  }
0xb7: {  	[tilespmem:s10+$0x0] =	vst v1;
	v1 =	vshrl.u32 v61, $0x3  }
0xb8: {  	v1 =	vmul.u32 $0x1A, v1;
	v2 =	vld [tilespmem:s11+$0x10];
	_ =	sdelay $0x1  }
0xb9: {  	s17 =	sadd.s32 $0xFFFFFFF0, s12;
	v1 =	vsub.s32 v3, v1  }
0xba: {  	v3 =	vor.u32 s17, v0;
	v1 =	vmul.u32 $0x186A0, v1  }
0xbb: {  	v62 =	vmulhi.u32 $0x4EC4EC4F, v3  }
0xbc: {  	v1 =	vadd.s32 v1, v2  }
0xbd: {  	[tilespmem:s10+$0x10] =	vst v1;
	v1 =	vshrl.u32 v62, $0x3  }
0xbe: {  	v1 =	vmul.u32 $0x1A, v1;
	v2 =	vld [tilespmem:s11+$0x20];
	_ =	sdelay $0x1  }
0xbf: {  	v1 =	vsub.s32 v3, v1  }
0xc0: {  	v3 =	vor.u32 s12, v0;
	v1 =	vmul.u32 $0x186A0, v1  }
0xc1: {  	v63 =	vmulhi.u32 $0x4EC4EC4F, v3  }
0xc2: {  	v1 =	vadd.s32 v1, v2  }
0xc3: {  	[tilespmem:s10+$0x20] =	vst v1;
	v1 =	vshrl.u32 v63, $0x3  }
0xc4: {  	v1 =	vmul.u32 $0x1A, v1;
	v2 =	vld [tilespmem:s11+$0x30];
	_ =	sdelay $0x1  }
0xc5: {  	v1 =	vsub.s32 v3, v1  }
0xc6: {  	v1 =	vmul.u32 $0x186A0, v1;
	_ =	sdelay $0x1  }
0xc7: {  	v1 =	vadd.s32 v1, v2  }
0xc8: {  	s13 =	simm.s32 $0x3400;
	s12 =	simm.s32 $0x6800;
	[tilespmem:s10+$0x30] =	vst v1  }
0xc9: {  	[tilespmem:s12], [sflag:$0x1] =	stream.indirect.gather [hbm4b:s3+s15], $0x20, s13, s15, $0xb8;
	[tilespmem:$0xE800] =	vst v63  }
0xca: {  	s17 =	simm.s32 $0x3480  }
0xcb: {  	[tilespmem:s19], [sflag:$0x2] =	stream.indirect.gather [hbm4b:s3+s15], $0x20, s17, s15, $0xb8;
	[tilespmem:$0xE800] =	vst v63  }
0xcc: {  	s11 =	simm.s32 $0x3500  }
0xcd: {  	[tilespmem:s21], [sflag:$0x3] =	stream.indirect.gather [hbm4b:s3+s15], $0x20, s11, s15, $0xb8;
	[tilespmem:$0xE800] =	vst v63  }
0xce: {  	s13 =	simm.s32 $0x3580  }
0xcf: {  	[tilespmem:s23], [sflag:$0x4] =	stream.indirect.gather [hbm4b:s3+s15], $0x20, s13, s15, $0xb8;
	[tilespmem:$0xE800] =	vst v63  }
0xd0: {  	s17 =	simm.s32 $0x3600  }
0xd1: {  	[tilespmem:s25], [sflag:$0x5] =	stream.indirect.gather [hbm4b:s3+s15], $0x20, s17, s15, $0xb8;
	[tilespmem:$0xE800] =	vst v63  }
0xd2: {  	s11 =	simm.s32 $0x3680  }
0xd3: {  	[tilespmem:s28], [sflag:$0x6] =	stream.indirect.gather [hbm4b:s3+s15], $0x20, s11, s15, $0xb8;
	[tilespmem:$0xE800] =	vst v63  }
0xd4: {  	s13 =	simm.s32 $0x3700  }
0xd5: {  	[tilespmem:s30], [sflag:$0x7] =	stream.indirect.gather [hbm4b:s3+s15], $0x20, s13, s15, $0xb8;
	[tilespmem:$0xE800] =	vst v63  }
0xd6: {  	s17 =	simm.s32 $0x3780;
	s13 =	rddreg [dreg:$0x5]  }
0xd7: {  	[tilespmem:s1], [sflag:$0x8] =	stream.indirect.gather [hbm4b:s3+s15], $0x20, s17, s15, $0xb8;
	[tilespmem:$0xE800] =	vst v63  }
0xd8: {  	s10 =	simm.s32 $0x0;
	s17 =	rddreg [dreg:$0x6]  }
.LBB2_4:
0xd9: {  	_ =	swait.ge [sflag:s0], $0x1000  }
0xda: {  	[sflag:s0] =	ssyncset.done $0x0  }
0xdb: {  	s11 =	sadd.s32 s10, s13;
	[sflag:s0] =	ssyncadd.s32 $0xFFFFF000  }
0xdc: {  	[hbm4b:s11+s2] =	stream.linear.scatter [tilespmem:s12], [sflag:$0x9], $0x1000, $0x38;
	[tilespmem:$0xE800] =	vst v63  }
0xdd: {  	_ =	swait.ge [sflag:s16], $0x1000  }
0xde: {  	[sflag:s16] =	ssyncset.done $0x0;
	s12 =	rddreg [dreg:$0xc]  }
0xdf: {  	[sflag:s16] =	ssyncadd.s32 $0xFFFFF000;
	s11 =	sadd.s32 s10, s12  }
0xe0: {  	[hbm4b:s11+s2] =	stream.linear.scatter [tilespmem:s19], [sflag:$0xA], $0x1000, $0x38;
	[tilespmem:$0xE800] =	vst v63  }
0xe1: {  	_ =	swait.ge [sflag:s18], $0x1000  }
0xe2: {  	[sflag:s18] =	ssyncset.done $0x0;
	s12 =	rddreg [dreg:$0xb]  }
0xe3: {  	[sflag:s18] =	ssyncadd.s32 $0xFFFFF000;
	s11 =	sadd.s32 s10, s12  }
0xe4: {  	[hbm4b:s11+s2] =	stream.linear.scatter [tilespmem:s21], [sflag:$0xB], $0x1000, $0x38;
	[tilespmem:$0xE800] =	vst v63  }
0xe5: {  	_ =	swait.ge [sflag:s20], $0x1000  }
0xe6: {  	[sflag:s20] =	ssyncset.done $0x0;
	s12 =	rddreg [dreg:$0xa]  }
0xe7: {  	[sflag:s20] =	ssyncadd.s32 $0xFFFFF000;
	s11 =	sadd.s32 s10, s12  }
0xe8: {  	[hbm4b:s11+s2] =	stream.linear.scatter [tilespmem:s23], [sflag:$0xC], $0x1000, $0x38;
	[tilespmem:$0xE800] =	vst v63  }
0xe9: {  	_ =	swait.ge [sflag:s22], $0x1000  }
0xea: {  	[sflag:s22] =	ssyncset.done $0x0;
	s12 =	rddreg [dreg:$0x9]  }
0xeb: {  	[sflag:s22] =	ssyncadd.s32 $0xFFFFF000;
	s11 =	sadd.s32 s10, s12  }
0xec: {  	[hbm4b:s11+s2] =	stream.linear.scatter [tilespmem:s25], [sflag:$0xD], $0x1000, $0x38;
	[tilespmem:$0xE800] =	vst v63  }
0xed: {  	_ =	swait.ge [sflag:s24], $0x1000  }
0xee: {  	[sflag:s24] =	ssyncset.done $0x0;
	s12 =	rddreg [dreg:$0x8]  }
0xef: {  	[sflag:s24] =	ssyncadd.s32 $0xFFFFF000;
	s11 =	sadd.s32 s10, s12  }
0xf0: {  	[hbm4b:s11+s2] =	stream.linear.scatter [tilespmem:s28], [sflag:$0xE], $0x1000, $0x38;
	[tilespmem:$0xE800] =	vst v63  }
0xf1: {  	_ =	swait.ge [sflag:s26], $0x1000  }
0xf2: {  	[sflag:s26] =	ssyncset.done $0x0;
	s12 =	rddreg [dreg:$0x7]  }
0xf3: {  	[sflag:s26] =	ssyncadd.s32 $0xFFFFF000;
	s11 =	sadd.s32 s10, s12  }
0xf4: {  	[hbm4b:s11+s2] =	stream.linear.scatter [tilespmem:s30], [sflag:$0xF], $0x1000, $0x38;
	[tilespmem:$0xE800] =	vst v63  }
0xf5: {  	_ =	swait.ge [sflag:s29], $0x1000  }
0xf6: {  	p0 =	seq.s32 s10, $0xC000;
	[sflag:s29] =	ssyncset.done $0x0  }
.Ltmp3:
0xf7: {  	s12 =	sadd.s32 s10, s17;
	[sflag:s29] =	ssyncadd.s32 $0xFFFFF000;
	(pc) =	sbr.rel @p0 .LBB2_6-.Ltmp3, $4  }
0xf8: {  	[hbm4b:s12+s2] =	stream.linear.scatter [tilespmem:s1], [sflag:$0x10], $0x1000, $0x38;
	[tilespmem:$0xE800] =	vst v63  }
0xf9: {  	_ =	swait.ge [sflag:s31], $0x1000  }
0xfa: {  	[sflag:s31] =	ssyncset.done $0x0  }
0xfb: {  	[sflag:s31] =	ssyncadd.s32 $0xFFFFF000  }
0xfc: {  	s11 =	sshra.s32 s10, $0x2  }
0xfd: {  	s19 =	simm.s32 $0x6800;
	s12 =	sadd.s32 $0x3800, s11  }
0xfe: {  	[tilespmem:s19], [sflag:$0x1] =	stream.indirect.gather [hbm4b:s3+s15], $0x20, s12, s15, $0xb8;
	[tilespmem:$0xE800] =	vst v63  }
0xff: {  	_ =	swait.ge [sflag:s4], $0x1000  }
0x100: {  	[sflag:s4] =	ssyncset.done $0x0  }
0x101: {  	s19 =	simm.s32 $0x7800;
	s12 =	sadd.s32 $0x3880, s11;
	[sflag:s4] =	ssyncadd.s32 $0xFFFFF000  }
0x102: {  	[tilespmem:s19], [sflag:$0x2] =	stream.indirect.gather [hbm4b:s3+s15], $0x20, s12, s15, $0xb8;
	[tilespmem:$0xE800] =	vst v63  }
0x103: {  	_ =	swait.ge [sflag:s5], $0x1000  }
0x104: {  	[sflag:s5] =	ssyncset.done $0x0  }
0x105: {  	s12 =	sadd.s32 $0x3900, s11;
	[sflag:s5] =	ssyncadd.s32 $0xFFFFF000  }
0x106: {  	[tilespmem:s21], [sflag:$0x3] =	stream.indirect.gather [hbm4b:s3+s15], $0x20, s12, s15, $0xb8;
	[tilespmem:$0xE800] =	vst v63  }
0x107: {  	_ =	swait.ge [sflag:s14], $0x1000  }
0x108: {  	[sflag:s14] =	ssyncset.done $0x0  }
0x109: {  	s12 =	sadd.s32 $0x3980, s11;
	[sflag:s14] =	ssyncadd.s32 $0xFFFFF000  }
0x10a: {  	[tilespmem:s23], [sflag:$0x4] =	stream.indirect.gather [hbm4b:s3+s15], $0x20, s12, s15, $0xb8;
	[tilespmem:$0xE800] =	vst v63  }
0x10b: {  	_ =	swait.ge [sflag:s6], $0x1000  }
0x10c: {  	[sflag:s6] =	ssyncset.done $0x0  }
0x10d: {  	s12 =	sadd.s32 $0x3A00, s11;
	[sflag:s6] =	ssyncadd.s32 $0xFFFFF000  }
0x10e: {  	[tilespmem:s25], [sflag:$0x5] =	stream.indirect.gather [hbm4b:s3+s15], $0x20, s12, s15, $0xb8;
	[tilespmem:$0xE800] =	vst v63  }
0x10f: {  	_ =	swait.ge [sflag:s7], $0x1000  }
0x110: {  	[sflag:s7] =	ssyncset.done $0x0  }
0x111: {  	s12 =	sadd.s32 $0x3A80, s11;
	[sflag:s7] =	ssyncadd.s32 $0xFFFFF000  }
0x112: {  	[tilespmem:s28], [sflag:$0x6] =	stream.indirect.gather [hbm4b:s3+s15], $0x20, s12, s15, $0xb8;
	[tilespmem:$0xE800] =	vst v63  }
0x113: {  	_ =	swait.ge [sflag:s8], $0x1000  }
0x114: {  	[sflag:s8] =	ssyncset.done $0x0  }
0x115: {  	s12 =	sadd.s32 $0x3B00, s11;
	[sflag:s8] =	ssyncadd.s32 $0xFFFFF000  }
0x116: {  	[tilespmem:s30], [sflag:$0x7] =	stream.indirect.gather [hbm4b:s3+s15], $0x20, s12, s15, $0xb8;
	[tilespmem:$0xE800] =	vst v63  }
.Ltmp4:
0x117: {  	_ = 	snop;
	(pc) =	sbr.rel .LBB2_4-.Ltmp4, $4  }
0x118: {  	_ =	swait.ge [sflag:s9], $0x1000  }
0x119: {  	s10 =	sadd.s32 $0x1000, s10;
	[sflag:s9] =	ssyncset.done $0x0  }
0x11a: {  	s11 =	sadd.s32 $0x3B80, s11;
	s12 =	simm.s32 $0x6800;
	[sflag:s9] =	ssyncadd.s32 $0xFFFFF000  }
0x11b: {  	[tilespmem:s1], [sflag:$0x8] =	stream.indirect.gather [hbm4b:s3+s15], $0x20, s11, s15, $0xb8;
	[tilespmem:$0xE800] =	vst v63  }
.LBB2_7:
0x11c: {  	_ =	sfence.sel $0x180000  }
0x11d: {  	[bflag:$0x0] =	sbarrier.arrive $0xFFFF  }
0x11e: {  	_ =	strace $0x9000004A  }
0x11f: {  	s0 =	stileid.u32;
	[bflag:$0x2] =	sbarrier.arrive $0xFFFF  }
0x120: {  	p0 =	sne.s32 s0, $0x0;
	s0 =	rddreg [dreg:$0x2]  }
0x121: {  	s0 =	sadd.s32 @!p0 $0x100000, s0  }
0x122: {  	[sflag:s0] =	ssyncadd.tile.s32 @!p0 $0x1;
	_ =	shalt  }
.Lfunc_end2:
_tile_overlayer_lowered:
.L_overlay_start_2:
0x123: {  	(tag) =	ssettag $0x2  }
0x124: {  	s0 =	rddreg [dreg:$0x0];
	s2 =	stileid.u32  }
0x125: {  	s1 =	rddreg [dreg:$0x1];
	p0 =	sne.s32 s2, $0x0  }
0x126: {  	s3 =	rddreg [dreg:$0x2];
	[bflag:$0x3] =	sbarrier.arrive $0xFFFF;
	s2 =	simm.s32 @!p0 $0x1C11  }
0x127: {  	[timem:s3], [sflag:s2] =	dma.local @!p0 [hbm:s0], s1  }
0x128: {  	s0 =	simm.s32 @!p0 $0x11  }
0x129: {  	_ =	swait.ge @!p0 [sflag:s0], s1  }
0x12a: {  	s1 =	ssub.s32 @!p0 $0x0, s1;
	[sflag:s0] =	ssyncset.done @!p0 $0x0  }
0x12b: {  	[sflag:s0] =	ssyncadd.s32 @!p0 s1  }
0x12c: {  	[bflag:$0x3] =	sbarrier.arrive $0xFFFF  }
0x12d: {  	_ =	shalt  }

// kernel: sparse-core-data-format-call.1.cloned.1.call-start
scs
called_computation.1_lowered:
.L_overlay_start_0:
0x0: {  	s2 =	sld [smem:$0x3FD9]  }
0x1: {  	s3 =	sld [smem:$0x3FFE];
	_ =	sdelay $0x1  }
0x2: {  	s1 =	srdreg.scid  }
0x3: {  	s0 =	sand.u32 $0x1, s1  }
0x4: {  	s18 =	sshll.u32 s0, $0xA;
	s2 =	sadd.s32 s3, s2  }
0x5: {  	s2 =	sadd.s32 s2, s18  }
0x6: {  	[smem:$0x3FC6] =	sst s2  }
0x7: {  	_ = 	snop  }
0x8: {  	s2 =	sld [smem:$0x3FC8];
	(tm) =	ssettm $0x1  }
0x9: {  	s19 =	sld [smem:$0x3FFB];
	_ =	sdelay $0x3  }
0xa: {  	_ =	strace s19  }
0xb: {  	s3 =	sld [smem:$0x3FFC];
	_ =	sdelay $0x3  }
0xc: {  	_ =	strace s3  }
0xd: {  	s3 =	sld [smem:$0x3FFD];
	_ =	sdelay $0x3  }
0xe: {  	_ =	strace s3  }
0xf: {  	_ =	strace $0x8FFFFFFF  }
0x10: {  	s20 =	sld [smem:$0x3FDB];
	_ =	sdelay $0x1  }
0x11: {  	s4 =	simm.s32 $_scs_section_size  }
0x12: {  	s5 =	simm.s32 $_size__tile_overlayer_lowered;
	s6 =	simm.s32 $_tile_overlayer_lowered  }
0x13: {  	s23 =	simm.s32 $0x1BFF;
	s22 =	sshll.u32 s6, $0x1;
	s3 =	sadd.s32 s4, s20  }
0x14: {  	s7 =	simm.s32 $0x0;
	s21 =	sshll.u32 s5, $0x1;
	s5 =	sadd.s32 s22, s3  }
0x15: {  	[timem:s7], [sflag:s23] =	dma.local [hbm:s5], s21  }
0x16: {  	_ =	swait.ge [sflag:s23], s21  }
0x17: {  	s4 =	ssub.s32 $0x0, s21;
	[sflag:s23] =	ssyncset.done $0x0  }
0x18: {  	[sflag:s23] =	ssyncadd.s32 s4;
	_ =	sdelay $0x1  }
0x19: {  	s24 =	simm.s32 $0x1B8B  }
0x1a: {  	_ =	swait.ge [sflag:s24], $0x1  }
0x1b: {  	[sflag:s24] =	ssyncset.done $0x0  }
0x1c: {  	s26 =	simm.s32 $0x1B8E;
	s25 =	sld [smem:$0x3FFE];
	[sflag:s24] =	ssyncadd.s32 $0xFFFFFFFF  }
0x1d: {  	s27 =	simm.s32 $execute0_lowered;
	[smem:$0x3FD2] =	sst s26  }
0x1e: {  	s5 =	sshll.u32 s27, $0x1;
	_ =	strace $0x80000046;
	[dreg:$0x1] =	wrdreg $0xFFFFFFFF  }
0x1f: {  	s28 =	simm.s32 $_size_execute0_lowered;
	s3 =	sadd.s32 s3, s5;
	[dreg:$0x0] =	wrdreg $0x0  }
0x20: {  	s5 =	sshll.u32 s28, $0x1;
	[dreg:$0x2] =	wrdreg s3  }
0x21: {  	[dreg:$0x3] =	wrdreg s5  }
0x22: {  	[dreg:$0x4] =	wrdreg $0xC0  }
0x23: {  	_ =	task [dreg:s7], $0x5FFFF  }
0x24: {  	[dreg:$0x1] =	wrdreg $0xFFFFFFFF  }
0x25: {  	[dreg:$0x0] =	wrdreg $0x60  }
0x26: {  	[dreg:$0x2] =	wrdreg s2  }
0x27: {  	[dreg:$0x3] =	wrdreg s25  }
0x28: {  	[dreg:$0x4] =	wrdreg $0x9  }
0x29: {  	_ =	task.clear_ibuf [dreg:s7], $0x5FFFF;
	_ =	strace $0x90000046  }
0x2a: {  	s29 =	simm.s32 $0x9;
	_ =	strace $0x80000048  }
0x2b: {  	_ =	swait.ge [sflag:s29], $0x1  }
0x2c: {  	[sflag:s29] =	ssyncadd.s32 $0xFFFFFFFF  }
0x2d: {  	_ =	strace $0x90000048  }
0x2e: {  	_ =	sfence  }
0x2f: {  	s30 =	sld [smem:$0x0];
	_ =	sdelay $0x2  }
0x30: {  	s31 =	sshll.u32 s1, $0xD;
	s1 =	sshrl.u32 s1, $0x2  }
0x31: {  	s3 =	sand.u32 $0x4000, s31;
	s1 =	sadd.s32 s1, s30  }
0x32: {  	s0 =	sor.u32 s3, s0;
	s1 =	sshll.u32 s1, $0x11  }
0x33: {  	s0 =	sor.u32 s1, s0  }
0x34: {  	s0 =	sadd.s32 $0x8F2B, s0  }
0x35: {  	[sflag:s0] =	ssyncadd.remote.s32 $0x1  }
0x36: {  	_ =	sfence.sel $0xFFFF  }
0x37: {  	[dreg:$0x0] =	wrdreg $0xFFFFFFFF;
	(pc) =	sbr.abs _section_cstart, $3  }
0x38: {  	[dreg:$0x1] =	wrdreg $0xFFFFFFFF  }
0x39: {  	_ =	task.clear_ibuf [dreg:s7], $0x2FFFF;
	_ =	strace $0x9FFFFFFF  }
0x3a: {  	(tm) =	ssettm $0x7FFFFFFF  }
0x3b: {  	_ =	shalt  }
tec
execute0_lowered:
.L_overlay_start_1:
0x0: {  	(tag) =	ssettag $0x1  }
0x1: {  	s2 =	rddreg [dreg:$0x0]  }
0x2: {  	s0 =	srdreg.scid;
	s5 =	rddreg [dreg:$0x1]  }
0x3: {  	s31 =	simm.s32 $0x2;
	s16 =	simm.s32 $0x0;
	p0 =	por $0x0, $0x0  }
0x4: {  	s8 =	simm.s32 $0x80;
	s17 =	simm.s32 $0x0;
	s1 =	sshll.u32 s0, $0x4  }
0x5: {  	s18 =	simm.s32 $0x0;
	s0 =	stileid.u32;
	s1 =	sand.u32 $0x10, s1  }
0x6: {  	s9 =	simm.s32 $0x0;
	s10 =	simm.s32 $0x0;
	s1 =	sor.u32 s0, s1  }
0x7: {  	s11 =	simm.s32 $0x0;
	s13 =	simm.s32 $0x0;
	s3 =	sshll.u32 s1, $0x8  }
.Ltmp0:
0x8: {  	s14 =	simm.s32 $0x0;
	s4 =	ssub.s32 $0x18600, s3;
	(pc) =	sbr.rel .LBB1_1-.Ltmp0, $4  }
0x9: {  	s15 =	simm.s32 $0x0;
	s1 =	rddreg [dreg:$0x2];
	s6 =	sshrl.u32 s4, $0xD  }
0xa: {  	_ =	strace $0x80000047;
	s4 =	simm.s32 $0x1;
	s7 =	smul.u32 $0x1A, s6  }
0xb: {  	s5 =	sadd.s32 $0xE00, s5;
	s12 =	smov.u32 s3;
	[sflag:s4] =	ssyncpa.u1 $0x0  }
0xc: {  	[sflag:s31] =	ssyncpa.u1 $0x0;
	s6 =	sadd.s32 $0x1A, s7;
	s7 =	sadd.s32 $0x1B, s7  }
.LBB1_5:
0xd: {  	p1 =	slt.u32 s15, $0x2  }
0xe: {  	s19 =	smov.u32 s18;
	p2 =	sgt.s32 @!p1 s18, $0x19  }
0xf: {  	s20 =	sshra.s32 @!p1 s18, $0x1F;
	p3 =	sgt.s32 @!p1 s16, $0x185A0;
	p4 =	sgt.s32 @!p1 s17, $0x60  }
0x10: {  	s21 =	sshra.s32 @!p1 s17, $0x1F;
	p2 =	por !p2, p1;
	s18 =	sand.u32 @!p1 s20, s18  }
0x11: {  	p4 =	por !p4, p1;
	s20 =	smov.u32 s17;
	s19 =	simm.s32 @p2 $0x19  }
0x12: {  	s17 =	sand.u32 @!p1 s21, s17;
	s20 =	simm.s32 @p4 $0x60;
	s18 =	ssub.s32 @!p1 s19, s18  }
0x13: {  	p3 =	por !p3, p1;
	s17 =	ssub.s32 @!p1 s20, s17;
	s19 =	sadd.s32 @!p1 $0xFFFFFFE7, s18  }
0x14: {  	s20 =	sshra.s32 @!p1 s16, $0x1F;
	s18 =	ssub.s32 @!p1 $0x1A, s18;
	p2 =	sgt.s32 @!p1 s19, $0x0  }
0x15: {  	s19 =	smov.u32 s16;
	s16 =	sand.u32 @!p1 s20, s16;
	s20 =	sadd.s32 @!p1 $0xFFFFFFA0, s17  }
0x16: {  	s17 =	ssub.s32 @!p1 $0x80, s17;
	s19 =	simm.s32 @p3 $0x185A0;
	p2 =	por !p2, p1  }
0x17: {  	s18 =	simm.s32 @!p2 $0x0;
	s16 =	ssub.s32 @!p1 s19, s16;
	p2 =	sgt.s32 @!p1 s20, $0x1F  }
0x18: {  	s20 =	smov.u32 s13;
	s19 =	sadd.s32 @!p1 $0xFFFE7A60, s16;
	p2 =	por !p2, p1  }
0x19: {  	s16 =	ssub.s32 @!p1 $0x186A0, s16;
	s17 =	simm.s32 @!p2 $0x0;
	p2 =	sgt.s32 @!p1 s19, $0xFF  }
0x1a: {  	s19 =	sadd.s32 $0x2000, s12;
	p2 =	por !p2, p1;
	s17 =	smul.u32 @!p1 s18, s17  }
0x1b: {  	s18 =	sadd.s32 $0x20, s13;
	s16 =	simm.s32 @!p2 $0x0;
	p2 =	sgt.s32 s19, $0x1869F  }
0x1c: {  	s16 =	smul.u32 @!p1 s16, s17;
	s20 =	smov.u32 @p2 s18  }
0x1d: {  	s19 =	smov.u32 @p2 s3;
	s17 =	simm.s32 $0x1;
	p2 =	sgt.s32 s20, $0x1F  }
0x1e: {  	s17 =	simm.s32 @!p2 $0x0  }
0x1f: {  	p0 =	por !p0, !p0;
	s23 =	sadd.s32 s17, s14  }
0x20: {  	s21 =	simm.s32 @!p1 $0x2;
	s20 =	simm.s32 @p2 $0x0;
	p2 =	sgt.s32 s23, $0x19  }
0x21: {  	s18 =	smov.u32 s11;
	s23 =	simm.s32 @p2 $0x0;
	p2 =	sne.s32 s15, s7  }
.Ltmp1:
0x22: {  	s11 =	smov.u32 s14;
	s16 =	sand.u32 @!p1 $0x3FFFFFFF, s16;
	(pc) =	sbr.rel @!p2 .LBB1_6-.Ltmp1, $4  }
0x23: {  	_ =	swait.ge @!p1 [sflag:s21], s16;
	s22 =	ssub.s32 @!p1 $0x0, s16;
	s16 =	smov.u32 s9  }
0x24: {  	s17 =	smov.u32 s10;
	s9 =	smov.u32 s12;
	s10 =	smov.u32 s13  }
0x25: {  	s12 =	smov.u32 s19;
	s13 =	smov.u32 s20;
	[sflag:s21] =	ssyncset.done @!p1 $0x0  }
0x26: {  	s15 =	sadd.s32 $0x1, s15;
	[sflag:s21] =	ssyncadd.s32 @!p1 s22;
	s14 =	smov.u32 s23  }
.LBB1_1:
0x27: {  	p1 =	sge.u32 s15, s6  }
0x28: {  	s19 =	sshrl.u32 @!p1 s13, $0x3  }
0x29: {  	s20 =	sshll.u32 @!p1 s12, $0x3;
	s19 =	smul.u32 @!p1 $0xC3800, s19  }
0x2a: {  	s21 =	sshll.u32 @!p1 s13, $0x7;
	s20 =	sand.u32 @!p1 $0xFFFFFC00, s20  }
0x2b: {  	s19 =	sadd.s32 @!p1 s19, s20;
	s20 =	sand.u32 @!p1 $0x380, s21  }
0x2c: {  	s21 =	sand.u32 @!p1 $0x7F, s12;
	s19 =	sor.u32 @!p1 s20, s19  }
0x2d: {  	s20 =	sor.u32 @!p1 s21, s19  }
0x2e: {  	s21 =	smulhi.u32 @!p1 $0xA79C7B17, s20  }
0x2f: {  	s19 =	smulhi.u32 @!p1 $0xA79C7B17, s19  }
0x30: {  	s21 =	sshrl.u32 @!p1 s21, $0x10  }
0x31: {  	s19 =	sshrl.u32 @!p1 s19, $0x10;
	s21 =	smul.u32 @!p1 $0x18700, s21  }
0x32: {  	s22 =	sxor.u32 @!p1 $0xFFFFFFFF, s15;
	s23 =	smul.u32 @!p1 $0x61C00, s14;
	s19 =	sand.u32 @!p1 $0x1F, s19  }
0x33: {  	s22 =	sshll.u32 @!p1 s22, $0xD;
	s19 =	smul.u32 @!p1 $0x30E0, s19;
	s20 =	ssub.s32 @!p1 s20, s21  }
0x34: {  	s21 =	sand.u32 @!p1 $0x2000, s22;
	s22 =	sadd.s32 @!p1 s2, s23;
	s23 =	sand.u32 @!p1 $0x7, s20  }
0x35: {  	s20 =	sshrl.u32 @!p1 s20, $0x3;
	s19 =	sadd.s32 @!p1 s19, s22;
	s22 =	sshll.u32 @!p1 s23, $0x12  }
0x36: {  	s19 =	sadd.s32 @!p1 s20, s19;
	s20 =	sor.u32 @!p1 $0x800, s22;
	s22 =	simm.s32 @!p1 $0xC3800  }
0x37: {  	[tilespmem:s21], [sflag:$0x1] =	stream.strided.gather @!p1 [hbm4b:s19+s20], $0x2000, s22, s20, $0x38;
	[tilespmem:$0x8200] =	vst v63  }
0x38: {  	p1 =	seq.s32 s15, $0x0  }
0x39: {  	p2 =	sge.u32 @!p1 s15, s7  }
0x3a: {  	p1 =	por p1, p2  }
.Ltmp2:
0x3b: {  	_ = 	snop;
	(pc) =	sbr.rel @p1 .LBB1_5-.Ltmp2, $1  }
0x3c: {  	_ =	sdelay $0x3  }
0x3d: {  	s21 =	simm.s32 $0x0  }
0x3e: {  	s22 =	sand.u32 $0x1800, s21;
	s23 =	sand.u32 $0x380, s21  }
0x3f: {  	s19 =	sand.u32 $0x1, s15;
	s23 =	sor.u32 s23, s22  }
0x40: {  	_ =	swait.ge [sflag:s4], $0x2000;
	s20 =	sshll.u32 s19, $0xD;
	s22 =	sand.u32 $0x1B00, s23  }
0x41: {  	[sflag:s4] =	ssyncset.done $0x0;
	s21 =	sand.u32 $0x80, s21;
	s22 =	sadd.s32 s22, s20  }
0x42: {  	[sflag:s4] =	ssyncadd.s32 $0xFFFFE000;
	s25 =	sadd.s32 s21, s22  }
0x43: {  	v4 =	vld [tilespmem:s25+$0x400]  }
0x44: {  	s24 =	simm.s32 $0x1;
	v5 =	vld [tilespmem:s25+$0x0]  }
0x45: {  	s24 =	simm.s32 @!p0 $0x0;
	v6 =	vld [tilespmem:s25+$0x10]  }
0x46: {  	v0 =	vmov s20;
	s31 =	smul.u32 $0x8400, s24;
	v7 =	vld [tilespmem:s25+$0x20]  }
0x47: {  	v9 =	vld [tilespmem:s25+$0x30]  }
0x48: {  	s21 =	sshrl.u32 s31, $0x2;
	v10 =	vld [tilespmem:s25+$0x40]  }
0x49: {  	s21 =	sor.u32 $0x4000, s21;
	v11 =	vld [tilespmem:s25+$0x50]  }
0x4a: {  	v8 =	vld [tilespmem:s25+$0x60];
	s22 =	sadd.s32 $0x0, s21  }
0x4b: {  	v1 =	vld.idx.msk [tilespmem:v0+s23+$0x410 ss:$0x1], $0xffff;
	[tilespmem:s22+$0x1080 ss:$0x21] =	vst.msk $0xffff, v4  }
0x4c: {  	v2 =	vld.idx.msk [tilespmem:v0+s23+$0x420 ss:$0x1], $0xffff;
	[tilespmem:s22+$0x0 ss:$0x21] =	vst.msk $0xffff, v5  }
0x4d: {  	v3 =	vld.idx.msk [tilespmem:v0+s23+$0x430 ss:$0x1], $0xffff;
	[tilespmem:s22+$0x210 ss:$0x21] =	vst.msk $0xffff, v6  }
0x4e: {  	s19 =	smul.u32 $0x8400, s19;
	[tilespmem:s22+$0x420 ss:$0x21] =	vst.msk $0xffff, v7;
	v7 =	vld [tilespmem:s25+$0x70]  }
0x4f: {  	s26 =	simm.s32 $0x80;
	s27 =	simm.s32 $0x8;
	[tilespmem:s22+$0x630 ss:$0x21] =	vst.msk $0xffff, v9;
	v4 =	vld.idx.msk [tilespmem:v0+s23+$0x440 ss:$0x1], $0xffff  }
0x50: {  	s29 =	sand.u32 $0x380, s26;
	s19 =	sshrl.u32 s19, $0x2;
	[tilespmem:s22+$0x840 ss:$0x21] =	vst.msk $0xffff, v10;
	v5 =	vld.idx.msk [tilespmem:v0+s23+$0x450 ss:$0x1], $0xffff;
	s25 =	simm.s32 $0x100  }
0x51: {  	s24 =	simm.s32 $0x4;
	s19 =	sor.u32 $0x4000, s19;
	[tilespmem:s22+$0xA50 ss:$0x21] =	vst.msk $0xffff, v11;
	v6 =	vld.idx.msk [tilespmem:v0+s23+$0x460 ss:$0x1], $0xffff;
	s28 =	sand.u32 $0x1800, s25  }
.LBB1_3:
0x52: {  	p1 =	sne.s32 s27, $0x7C;
	[tilespmem:s22+$0xC60 ss:$0x21] =	vst.msk $0xffff, v8;
	v8 =	vld.idx.msk [tilespmem:v0+s23+$0x470 ss:$0x1], $0xffff;
	s23 =	sor.u32 s29, s28  }
0x53: {  	s28 =	sand.u32 $0x1B00, s23;
	v9 =	vld.idx.msk [tilespmem:v0+s23+$0x410 ss:$0x1], $0xffff;
	[tilespmem:s22+$0xE70 ss:$0x21] =	vst.msk $0xffff, v7  }
0x54: {  	s29 =	sand.u32 $0x80, s26;
	s28 =	sadd.s32 s28, s20;
	v7 =	vld.idx.msk [tilespmem:v0+s23+$0x420 ss:$0x1], $0xffff;
	[tilespmem:s22+$0x1290 ss:$0x21] =	vst.msk $0xffff, v1  }
0x55: {  	s28 =	sadd.s32 s29, s28;
	v10 =	vld.idx.msk [tilespmem:v0+s23+$0x430 ss:$0x1], $0xffff;
	[tilespmem:s22+$0x14A0 ss:$0x21] =	vst.msk $0xffff, v2  }
0x56: {  	v11 =	vld [tilespmem:s28+$0x400];
	[tilespmem:s22+$0x16B0 ss:$0x21] =	vst.msk $0xffff, v3  }
0x57: {  	v12 =	vld [tilespmem:s28+$0x0];
	[tilespmem:s22+$0x18C0 ss:$0x21] =	vst.msk $0xffff, v4  }
0x58: {  	v4 =	vld [tilespmem:s28+$0x10];
	[tilespmem:s22+$0x1AD0 ss:$0x21] =	vst.msk $0xffff, v5  }
0x59: {  	s29 =	sshra.s32 s24, $0x2;
	s24 =	smov.u32 s27;
	v1 =	vmov v9;
	v5 =	vld [tilespmem:s28+$0x20];
	[tilespmem:s22+$0x1CE0 ss:$0x21] =	vst.msk $0xffff, v6  }
0x5a: {  	v2 =	vmov v7;
	v6 =	vld [tilespmem:s28+$0x30];
	[tilespmem:s22+$0x1EF0 ss:$0x21] =	vst.msk $0xffff, v8;
	s22 =	sadd.s32 s29, s21  }
0x5b: {  	v3 =	vmov v10;
	v9 =	vld [tilespmem:s28+$0x40];
	[tilespmem:s22+$0x1080 ss:$0x21] =	vst.msk $0xffff, v11  }
0x5c: {  	[tilespmem:s22+$0x0 ss:$0x21] =	vst.msk $0xffff, v12;
	v10 =	vld [tilespmem:s28+$0x50]  }
.Ltmp3:
0x5d: {  	[tilespmem:s22+$0x210 ss:$0x21] =	vst.msk $0xffff, v4;
	v8 =	vld [tilespmem:s28+$0x60];
	(pc) =	sbr.rel @p1 .LBB1_3-.Ltmp3, $4  }
0x5e: {  	[tilespmem:s22+$0x420 ss:$0x21] =	vst.msk $0xffff, v5;
	v7 =	vld [tilespmem:s28+$0x70]  }
0x5f: {  	[tilespmem:s22+$0x630 ss:$0x21] =	vst.msk $0xffff, v6;
	v4 =	vld.idx.msk [tilespmem:v0+s23+$0x440 ss:$0x1], $0xffff  }
0x60: {  	s26 =	sadd.s32 $0x80, s26;
	s25 =	sadd.s32 $0x100, s25;
	[tilespmem:s22+$0x840 ss:$0x21] =	vst.msk $0xffff, v9;
	v5 =	vld.idx.msk [tilespmem:v0+s23+$0x450 ss:$0x1], $0xffff  }
0x61: {  	s27 =	sadd.s32 $0x4, s27;
	s29 =	sand.u32 $0x380, s26;
	s28 =	sand.u32 $0x1800, s25;
	[tilespmem:s22+$0xA50 ss:$0x21] =	vst.msk $0xffff, v10;
	v6 =	vld.idx.msk [tilespmem:v0+s23+$0x460 ss:$0x1], $0xffff  }
0x62: {  	_ =	sdelay $0x3  }
0x63: {  	s25 =	sor.u32 s29, s28;
	v47 =	vld.idx.msk [tilespmem:v0+s23+$0x470 ss:$0x1], $0xffff  }
0x64: {  	[tilespmem:s22+$0xC60 ss:$0x21] =	vst.msk $0xffff, v8;
	v57 =	vld.idx.msk [tilespmem:v0+s25+$0x410 ss:$0x1], $0xffff  }
0x65: {  	[tilespmem:s22+$0x1290 ss:$0x21] =	vst.msk $0xffff, v1;
	v58 =	vld.idx.msk [tilespmem:v0+s25+$0x420 ss:$0x1], $0xffff  }
0x66: {  	[tilespmem:s22+$0x14A0 ss:$0x21] =	vst.msk $0xffff, v2;
	v59 =	vld.idx.msk [tilespmem:v0+s25+$0x430 ss:$0x1], $0xffff  }
0x67: {  	[tilespmem:s22+$0x16B0 ss:$0x21] =	vst.msk $0xffff, v3;
	v60 =	vld.idx.msk [tilespmem:v0+s25+$0x440 ss:$0x1], $0xffff  }
0x68: {  	s26 =	sand.u32 $0x80, s26;
	s27 =	sand.u32 $0x1B00, s25;
	[tilespmem:s22+$0xE70 ss:$0x21] =	vst.msk $0xffff, v7;
	v61 =	vld.idx.msk [tilespmem:v0+s25+$0x450 ss:$0x1], $0xffff  }
0x69: {  	s29 =	sshll.u32 s10, $0x3;
	s24 =	sshra.s32 s24, $0x2;
	v62 =	vld.idx.msk [tilespmem:v0+s25+$0x460 ss:$0x1], $0xffff;
	s20 =	sadd.s32 s27, s20;
	[tilespmem:s22+$0x18C0 ss:$0x21] =	vst.msk $0xffff, v4  }
0x6a: {  	p1 =	sgt.s32 s11, $0x19;
	s31 =	sand.u32 $0xFFFFFC00, s29;
	v63 =	vld.idx.msk [tilespmem:v0+s25+$0x470 ss:$0x1], $0xffff;
	s23 =	sadd.s32 s26, s20;
	[tilespmem:s22+$0x1AD0 ss:$0x21] =	vst.msk $0xffff, v5  }
0x6b: {  	p2 =	sgt.s32 s10, $0x60;
	s29 =	sshra.s32 s11, $0x1F;
	s25 =	smul.u32 $0x186A00, s11;
	v48 =	vld [tilespmem:s23+$0x400];
	[tilespmem:s22+$0x1CE0 ss:$0x21] =	vst.msk $0xffff, v6  }
0x6c: {  	s26 =	sshll.u32 s9, $0x7;
	s20 =	sadd.s32 s24, s21;
	s24 =	sand.u32 s29, s11;
	v49 =	vld [tilespmem:s23+$0x0];
	[tilespmem:s22+$0x1EF0 ss:$0x21] =	vst.msk $0xffff, v47  }
0x6d: {  	s29 =	sshra.s32 s9, $0x1F;
	v50 =	vld [tilespmem:s23+$0x10];
	s30 =	sand.u32 $0xFFFFFC00, s26;
	s28 =	sand.u32 $0x380, s26;
	[tilespmem:s20+$0x1290 ss:$0x21] =	vst.msk $0xffff, v57  }
0x6e: {  	v51 =	vld [tilespmem:s23+$0x20];
	s27 =	sadd.s32 s31, s30;
	s22 =	smov.u32 s11;
	s31 =	sshra.s32 s10, $0x1F;
	[tilespmem:s20+$0x14A0 ss:$0x21] =	vst.msk $0xffff, v58  }
0x6f: {  	v52 =	vld [tilespmem:s23+$0x30];
	s21 =	sor.u32 s28, s27;
	s22 =	simm.s32 @!p1 $0x19;
	s28 =	sand.u32 s31, s10;
	[tilespmem:s20+$0x16B0 ss:$0x21] =	vst.msk $0xffff, v59  }
0x70: {  	v53 =	vld [tilespmem:s23+$0x40];
	s27 =	smov.u32 s9;
	[tilespmem:s20+$0x18C0 ss:$0x21] =	vst.msk $0xffff, v60;
	s21 =	sshrl.u32 s21, $0x7;
	s22 =	ssub.s32 s22, s24  }
0x71: {  	v54 =	vld [tilespmem:s23+$0x50];
	[tilespmem:s20+$0x1AD0 ss:$0x21] =	vst.msk $0xffff, v61;
	s24 =	smov.u32 s10;
	s26 =	smulhi.u32 $0x14F8B59, s21;
	s30 =	sadd.s32 $0xFFFFFFE7, s22  }
0x72: {  	v55 =	vld [tilespmem:s23+$0x60];
	[tilespmem:s20+$0x1CE0 ss:$0x21] =	vst.msk $0xffff, v62;
	s24 =	simm.s32 @!p2 $0x60;
	p2 =	sgt.s32 s9, $0x185A0;
	s22 =	ssub.s32 $0x1A, s22  }
0x73: {  	v56 =	vld [tilespmem:s23+$0x70];
	[tilespmem:s20+$0x1EF0 ss:$0x21] =	vst.msk $0xffff, v63;
	p1 =	sgt.s32 s30, $0x0;
	s23 =	ssub.s32 s24, s28;
	s27 =	simm.s32 @!p2 $0x185A0  }
0x74: {  	[tilespmem:s20+$0x1080 ss:$0x21] =	vst.msk $0xffff, v48;
	s24 =	sand.u32 s29, s9;
	s28 =	sand.u32 $0x7, s10;
	s26 =	sshrl.u32 s26, $0x9  }
0x75: {  	[tilespmem:s20+$0x0 ss:$0x21] =	vst.msk $0xffff, v49;
	s24 =	ssub.s32 s27, s24;
	s30 =	sadd.s32 $0xFFFFFFA0, s23;
	s22 =	simm.s32 @p1 $0x0  }
0x76: {  	[tilespmem:s20+$0x210 ss:$0x21] =	vst.msk $0xffff, v50;
	s23 =	ssub.s32 $0x80, s23;
	s27 =	sshrl.u32 s10, $0x3;
	p1 =	sgt.s32 s30, $0x1F  }
0x77: {  	[tilespmem:s20+$0x420 ss:$0x21] =	vst.msk $0xffff, v51;
	s26 =	smul.u32 $0x186A0, s26;
	s31 =	sadd.s32 $0xFFFE7A60, s24;
	s23 =	simm.s32 @p1 $0x0  }
0x78: {  	[tilespmem:s20+$0x630 ss:$0x21] =	vst.msk $0xffff, v52;
	s24 =	ssub.s32 $0x186A0, s24;
	p1 =	sgt.s32 s31, $0xFF;
	s22 =	smul.u32 s22, s23  }
.Ltmp4:
0x79: {  	[tilespmem:s20+$0x840 ss:$0x21] =	vst.msk $0xffff, v53;
	s24 =	simm.s32 @p1 $0x0;
	s21 =	ssub.s32 s21, s26;
	(pc) =	sbr.rel .LBB1_5-.Ltmp4, $4  }
0x7a: {  	[tilespmem:s20+$0xA50 ss:$0x21] =	vst.msk $0xffff, v54;
	s23 =	sadd.s32 s5, s25;
	s22 =	smul.u32 s24, s22;
	s24 =	sand.u32 $0xF, s27  }
0x7b: {  	[tilespmem:s20+$0xC60 ss:$0x21] =	vst.msk $0xffff, v55;
	s29 =	sshll.u32 s28, $0x12;
	s21 =	sshll.u32 s21, $0x4;
	s23 =	sadd.s32 s24, s23  }
0x7c: {  	[tilespmem:s20+$0xE70 ss:$0x21] =	vst.msk $0xffff, v56;
	s31 =	sor.u32 $0x20, s29;
	s30 =	sand.u32 $0x3FFFFFFF, s22;
	s21 =	sadd.s32 s21, s23  }
0x7d: {  	[hbm4b:s21+s31] =	stream.strided.scatter [tilespmem:s19], [sflag:$0x2], s30, s8, s31, $0x10;
	[tilespmem:$0x8200] =	vst v63  }
.LBB1_6:
0x7e: {  	_ =	sfence.sel $0x180000  }
0x7f: {  	s2 =	simm.s32 $0x1;
	[bflag:$0x0] =	sbarrier.arrive $0xFFFF  }
0x80: {  	s31 =	simm.s32 $0x2;
	[sflag:s2] =	ssyncpa.u1 $0x1  }
0x81: {  	[sflag:s31] =	ssyncpa.u1 $0x1  }
0x82: {  	p0 =	sne.s32 s0, $0x0;
	_ =	strace $0x90000047  }
0x83: {  	s0 =	sadd.s32 @!p0 $0x100000, s1;
	[bflag:$0x2] =	sbarrier.arrive $0xFFFF  }
0x84: {  	[sflag:s0] =	ssyncadd.tile.s32 @!p0 $0x1;
	_ =	shalt  }
.Lfunc_end1:
_tile_overlayer_lowered:
.L_overlay_start_2:
0x85: {  	(tag) =	ssettag $0x2  }
0x86: {  	s0 =	rddreg [dreg:$0x0];
	s2 =	stileid.u32  }
0x87: {  	s1 =	rddreg [dreg:$0x1];
	p0 =	sne.s32 s2, $0x0  }
0x88: {  	s3 =	rddreg [dreg:$0x2];
	[bflag:$0x3] =	sbarrier.arrive $0xFFFF;
	s2 =	simm.s32 @!p0 $0x1C01  }
0x89: {  	[timem:s3], [sflag:s2] =	dma.local @!p0 [hbm:s0], s1  }
0x8a: {  	s0 =	simm.s32 @!p0 $0x1  }
0x8b: {  	_ =	swait.ge @!p0 [sflag:s0], s1  }
0x8c: {  	s1 =	ssub.s32 @!p0 $0x0, s1;
	[sflag:s0] =	ssyncset.done @!p0 $0x0  }
0x8d: {  	[sflag:s0] =	ssyncadd.s32 @!p0 s1  }
0x8e: {  	[bflag:$0x3] =	sbarrier.arrive $0xFFFF  }
0x8f: {  	_ =	shalt  }

// kernel: sparse-core-data-format-call.cloned.1.call-start
scs
called_computation_lowered:
.L_overlay_start_0:
0x0: {  	s2 =	sld [smem:$0x3FD9]  }
0x1: {  	s3 =	sld [smem:$0x3FFE];
	_ =	sdelay $0x1  }
0x2: {  	s1 =	srdreg.scid  }
0x3: {  	s0 =	sand.u32 $0x1, s1  }
0x4: {  	s18 =	sshll.u32 s0, $0xA;
	s2 =	sadd.s32 s3, s2  }
0x5: {  	s2 =	sadd.s32 s2, s18  }
0x6: {  	[smem:$0x3FC6] =	sst s2  }
0x7: {  	_ = 	snop  }
0x8: {  	s2 =	sld [smem:$0x3FD0];
	(tm) =	ssettm $0x1  }
0x9: {  	s19 =	sld [smem:$0x3FFB];
	_ =	sdelay $0x3  }
0xa: {  	_ =	strace s19  }
0xb: {  	s3 =	sld [smem:$0x3FFC];
	_ =	sdelay $0x3  }
0xc: {  	_ =	strace s3  }
0xd: {  	s3 =	sld [smem:$0x3FFD];
	_ =	sdelay $0x3  }
0xe: {  	_ =	strace s3  }
0xf: {  	_ =	strace $0x8FFFFFFF  }
0x10: {  	s20 =	sld [smem:$0x3FDB];
	_ =	sdelay $0x1  }
0x11: {  	s4 =	simm.s32 $_scs_section_size  }
0x12: {  	s5 =	simm.s32 $_size__tile_overlayer_lowered;
	s6 =	simm.s32 $_tile_overlayer_lowered  }
0x13: {  	s23 =	simm.s32 $0x1BFF;
	s22 =	sshll.u32 s6, $0x1;
	s3 =	sadd.s32 s4, s20  }
0x14: {  	s7 =	simm.s32 $0x0;
	s21 =	sshll.u32 s5, $0x1;
	s5 =	sadd.s32 s22, s3  }
0x15: {  	[timem:s7], [sflag:s23] =	dma.local [hbm:s5], s21  }
0x16: {  	_ =	swait.ge [sflag:s23], s21  }
0x17: {  	s4 =	ssub.s32 $0x0, s21;
	[sflag:s23] =	ssyncset.done $0x0  }
0x18: {  	[sflag:s23] =	ssyncadd.s32 s4;
	_ =	sdelay $0x1  }
0x19: {  	s24 =	simm.s32 $0x1B8B  }
0x1a: {  	_ =	swait.ge [sflag:s24], $0x1  }
0x1b: {  	[sflag:s24] =	ssyncset.done $0x0  }
0x1c: {  	s26 =	simm.s32 $0x1B8E;
	s25 =	sld [smem:$0x3FFE];
	[sflag:s24] =	ssyncadd.s32 $0xFFFFFFFF  }
0x1d: {  	s27 =	simm.s32 $execute0_lowered;
	[smem:$0x3FD2] =	sst s26  }
0x1e: {  	s5 =	sshll.u32 s27, $0x1;
	_ =	strace $0x8000004C;
	[dreg:$0x1] =	wrdreg $0xFFFFFFFF  }
0x1f: {  	s28 =	simm.s32 $_size_execute0_lowered;
	s3 =	sadd.s32 s3, s5;
	[dreg:$0x0] =	wrdreg $0x0  }
0x20: {  	s5 =	sshll.u32 s28, $0x1;
	[dreg:$0x2] =	wrdreg s3  }
0x21: {  	[dreg:$0x3] =	wrdreg s5  }
0x22: {  	[dreg:$0x4] =	wrdreg $0xC0  }
0x23: {  	_ =	task [dreg:s7], $0x5FFFF  }
0x24: {  	[dreg:$0x1] =	wrdreg $0xFFFFFFFF  }
0x25: {  	[dreg:$0x0] =	wrdreg $0x60  }
0x26: {  	[dreg:$0x2] =	wrdreg s25  }
0x27: {  	[dreg:$0x3] =	wrdreg s2  }
0x28: {  	[dreg:$0x4] =	wrdreg $0x9  }
0x29: {  	_ =	task.clear_ibuf [dreg:s7], $0x5FFFF;
	_ =	strace $0x9000004C  }
0x2a: {  	s29 =	simm.s32 $0x9;
	_ =	strace $0x8000004E  }
0x2b: {  	_ =	swait.ge [sflag:s29], $0x1  }
0x2c: {  	[sflag:s29] =	ssyncadd.s32 $0xFFFFFFFF  }
0x2d: {  	_ =	strace $0x9000004E  }
0x2e: {  	_ =	sfence  }
0x2f: {  	s30 =	sld [smem:$0x0];
	_ =	sdelay $0x2  }
0x30: {  	s31 =	sshll.u32 s1, $0xD;
	s1 =	sshrl.u32 s1, $0x2  }
0x31: {  	s3 =	sand.u32 $0x4000, s31;
	s1 =	sadd.s32 s1, s30  }
0x32: {  	s0 =	sor.u32 s3, s0;
	s1 =	sshll.u32 s1, $0x11  }
0x33: {  	s0 =	sor.u32 s1, s0  }
0x34: {  	s0 =	sadd.s32 $0x8F2B, s0  }
0x35: {  	[sflag:s0] =	ssyncadd.remote.s32 $0x1  }
0x36: {  	_ =	sfence.sel $0xFFFF  }
0x37: {  	[dreg:$0x0] =	wrdreg $0xFFFFFFFF;
	(pc) =	sbr.abs _section_cstart, $3  }
0x38: {  	[dreg:$0x1] =	wrdreg $0xFFFFFFFF  }
0x39: {  	_ =	task.clear_ibuf [dreg:s7], $0x2FFFF;
	_ =	strace $0x9FFFFFFF  }
0x3a: {  	(tm) =	ssettm $0x7FFFFFFF  }
0x3b: {  	_ =	shalt  }
tec
execute0_lowered:
.L_overlay_start_1:
0x0: {  	(tag) =	ssettag $0x1  }
0x1: {  	s0 =	srdreg.scid  }
0x2: {  	s1 =	sshll.u32 s0, $0x4  }
0x3: {  	s6 =	rddreg [dreg:$0x0];
	s0 =	stileid.u32;
	s1 =	sand.u32 $0x10, s1  }
0x4: {  	s3 =	rddreg [dreg:$0x1];
	s1 =	sor.u32 s0, s1  }
0x5: {  	s5 =	simm.s32 $0x1;
	s31 =	simm.s32 $0x2;
	s2 =	sshll.u32 s1, $0x7  }
0x6: {  	s15 =	simm.s32 $0x0;
	s8 =	simm.s32 $0x20000;
	s4 =	ssub.s32 $0x4000, s2  }
0x7: {  	s14 =	simm.s32 $0x0;
	s9 =	simm.s32 $0x0;
	s30 =	sand.u32 $0xF80, s4  }
0x8: {  	s10 =	simm.s32 $0x0;
	s11 =	simm.s32 $0x0;
	p0 =	sne.s32 s30, $0x0  }
.Ltmp0:
0x9: {  	s7 =	sshrl.u32 s4, $0xC;
	s5 =	simm.s32 @!p0 $0x0;
	(pc) =	sbr.rel .LBB1_1-.Ltmp0, $4  }
0xa: {  	s13 =	simm.s32 $0x0;
	s1 =	rddreg [dreg:$0x2];
	s5 =	sadd.s32 s5, s7  }
0xb: {  	_ =	strace $0x8000004D;
	s4 =	simm.s32 $0x1;
	s5 =	smul.u32 $0x7, s5  }
0xc: {  	s6 =	sadd.s32 $0xE00, s6;
	s12 =	smov.u32 s2;
	[sflag:s4] =	ssyncpa.u1 $0x0  }
0xd: {  	[sflag:s31] =	ssyncpa.u1 $0x0;
	p0 =	por $0x0, $0x0;
	s7 =	sadd.s32 $0x1, s5  }
.LBB1_4:
0xe: {  	s20 =	sshra.s32 s20, $0x2  }
0xf: {  	s28 =	sand.u32 $0x78, s10;
	s21 =	sshll.u32 s9, $0xE;
	s22 =	sshll.u32 s10, $0x3  }
0x10: {  	s24 =	sshll.u32 s9, $0x7;
	p1 =	sgt.s32 s9, $0x2C0;
	s30 =	sshra.s32 s9, $0x1F  }
0x11: {  	s26 =	sshra.s32 s10, $0x1F;
	s19 =	sadd.s32 s20, s19;
	s21 =	sand.u32 $0xFFFE0000, s21  }
0x12: {  	v5 =	vld [tilespmem:s17+$0xFFFFFFD0];
	[tilespmem:s18+$0x2040 ss:$0x81] =	vst.msk $0xffff, v4;
	s23 =	sand.u32 $0xFFFFFC00, s22;
	s29 =	sand.u32 $0x380, s24;
	s22 =	sand.u32 $0x3C00, s22  }
0x13: {  	v58 =	vld [tilespmem:s17+$0xFFFFFFE0];
	[tilespmem:s18+$0x2850 ss:$0x81] =	vst.msk $0xffff, v3;
	s21 =	sadd.s32 s23, s21;
	s20 =	sor.u32 s28, s22;
	s22 =	smov.u32 s9  }
0x14: {  	v59 =	vld [tilespmem:s17+$0xFFFFFFF0];
	[tilespmem:s18+$0x3060 ss:$0x81] =	vst.msk $0xffff, v2;
	s24 =	sand.u32 s30, s9;
	s21 =	sshrl.u32 s21, $0xE;
	s22 =	simm.s32 @!p1 $0x2C0  }
0x15: {  	v60 =	vld [tilespmem:s17+$0x0];
	[tilespmem:s18+$0x0 ss:$0x81] =	vst.msk $0xffff, v1;
	p1 =	sgt.s32 s10, $0x3F80;
	s31 =	ssub.s32 s22, s24;
	s22 =	smov.u32 s10  }
0x16: {  	v61 =	vld [tilespmem:s17+$0x10];
	[tilespmem:s19+$0x3870 ss:$0x81] =	vst.msk $0xffff, v0;
	s25 =	smulhi.u32 $0x4EC4ED, s21;
	s24 =	sand.u32 s26, s10;
	s22 =	simm.s32 @!p1 $0x3F80  }
0x17: {  	v62 =	vld [tilespmem:s17+$0x20];
	s20 =	sor.u32 s29, s20;
	[tilespmem:s19+$0x810 ss:$0x81] =	vst.msk $0xffff, v5;
	s27 =	sadd.s32 $0xFFFFFD40, s31;
	s22 =	ssub.s32 s22, s24  }
0x18: {  	v63 =	vld [tilespmem:s17+$0xFFFFFFC0];
	[tilespmem:s19+$0x1020 ss:$0x81] =	vst.msk $0xffff, v58;
	s18 =	ssub.s32 $0x340, s31;
	s28 =	smul.u32 $0x340, s25;
	s29 =	sadd.s32 $0xFFFFC080, s22  }
0x19: {  	[tilespmem:s19+$0x1830 ss:$0x81] =	vst.msk $0xffff, v59;
	p1 =	sgt.s32 s27, $0x7F;
	s22 =	ssub.s32 $0x4000, s22;
	p2 =	sgt.s32 s29, $0x7F  }
0x1a: {  	s30 =	sand.u32 $0x7, s10;
	[tilespmem:s19+$0x2040 ss:$0x81] =	vst.msk $0xffff, v60;
	s18 =	simm.s32 @p1 $0x0;
	s22 =	simm.s32 @p2 $0x0  }
0x1b: {  	s20 =	sshrl.u32 s20, $0x3;
	[tilespmem:s19+$0x2850 ss:$0x81] =	vst.msk $0xffff, v61;
	s17 =	ssub.s32 s21, s28;
	s18 =	smul.u32 s22, s18  }
0x1c: {  	[tilespmem:s19+$0x3060 ss:$0x81] =	vst.msk $0xffff, v62;
	s20 =	sadd.s32 s3, s20;
	s21 =	sshll.u32 s30, $0x12;
	s17 =	sshll.u32 s17, $0xB  }
0x1d: {  	[tilespmem:s19+$0x0 ss:$0x81] =	vst.msk $0xffff, v63;
	s31 =	sor.u32 $0x400, s21;
	s17 =	sadd.s32 s17, s20;
	s18 =	sand.u32 $0x3FFFFFFF, s18  }
0x1e: {  	[hbm4b:s17+s31] =	stream.strided.scatter [tilespmem:s16], [sflag:$0x2], s18, s8, s31, $0x20;
	[tilespmem:$0x10100] =	vst v63  }
.LBB1_5:
0x1f: {  	p1 =	slt.u32 s13, $0x2  }
0x20: {  	s17 =	smov.u32 s15;
	p2 =	sgt.s32 @!p1 s15, $0x2C0;
	s16 =	sshra.s32 @!p1 s15, $0x1F  }
0x21: {  	p3 =	sgt.s32 @!p1 s14, $0x3F80;
	s18 =	sshra.s32 @!p1 s14, $0x1F;
	p2 =	por !p2, p1  }
0x22: {  	s15 =	sand.u32 @!p1 s16, s15;
	p3 =	por !p3, p1;
	s16 =	smov.u32 s14  }
0x23: {  	s14 =	sand.u32 @!p1 s18, s14;
	s17 =	simm.s32 @p2 $0x2C0;
	s16 =	simm.s32 @p3 $0x3F80  }
0x24: {  	s15 =	ssub.s32 @!p1 s17, s15;
	s14 =	ssub.s32 @!p1 s16, s14  }
0x25: {  	s18 =	smov.u32 s12;
	s16 =	sadd.s32 @!p1 $0xFFFFFD40, s15;
	s17 =	sadd.s32 @!p1 $0xFFFFC080, s14  }
0x26: {  	s15 =	ssub.s32 @!p1 $0x340, s15;
	p2 =	sgt.s32 @!p1 s16, $0x7F;
	p3 =	sgt.s32 @!p1 s17, $0x7F  }
0x27: {  	s14 =	ssub.s32 @!p1 $0x4000, s14;
	p2 =	por !p2, p1;
	p3 =	por !p3, p1  }
0x28: {  	s16 =	sadd.s32 $0x80, s11;
	s15 =	simm.s32 @!p2 $0x0;
	s14 =	simm.s32 @!p3 $0x0  }
0x29: {  	p2 =	sgt.s32 s16, $0x33F;
	s14 =	smul.u32 @!p1 s14, s15;
	s15 =	sadd.s32 $0x1000, s12  }
0x2a: {  	s18 =	smov.u32 @p2 s15  }
0x2b: {  	s16 =	simm.s32 @p2 $0x0;
	p2 =	sgt.s32 s18, $0x3FFF  }
0x2c: {  	s18 =	smov.u32 @p2 s2;
	p2 =	sne.s32 s13, s7  }
.Ltmp1:
0x2d: {  	p0 =	por !p0, !p0;
	s17 =	simm.s32 @!p1 $0x2;
	(pc) =	sbr.rel @!p2 .LBB1_6-.Ltmp1, $4  }
0x2e: {  	s15 =	smov.u32 s9;
	s9 =	smov.u32 s11;
	s14 =	sand.u32 @!p1 $0x3FFFFFFF, s14  }
0x2f: {  	s11 =	smov.u32 s16;
	_ =	swait.ge @!p1 [sflag:s17], s14;
	s19 =	ssub.s32 @!p1 $0x0, s14  }
0x30: {  	s14 =	smov.u32 s10;
	s13 =	sadd.s32 $0x1, s13;
	[sflag:s17] =	ssyncset.done @!p1 $0x0  }
0x31: {  	s10 =	smov.u32 s12;
	s12 =	smov.u32 s18;
	[sflag:s17] =	ssyncadd.s32 @!p1 s19  }
.LBB1_1:
0x32: {  	p1 =	sge.u32 s13, s5  }
0x33: {  	s16 =	sshrl.u32 @!p1 s12, $0x3  }
0x34: {  	s17 =	sshll.u32 @!p1 s11, $0x3;
	s16 =	smul.u32 @!p1 $0x1C00, s16  }
0x35: {  	s18 =	sshll.u32 @!p1 s12, $0x7;
	s17 =	sand.u32 @!p1 $0xFFFFFC00, s17  }
0x36: {  	s16 =	sadd.s32 @!p1 s16, s17;
	s17 =	sand.u32 @!p1 $0x380, s18  }
0x37: {  	s16 =	sor.u32 @!p1 s17, s16  }
0x38: {  	s17 =	sshrl.u32 @!p1 s16, $0x7  }
0x39: {  	s17 =	smulhi.u32 @!p1 $0x24924925, s17;
	_ =	sdelay $0x1  }
0x3a: {  	s18 =	sand.u32 @!p1 $0x7F, s11;
	s19 =	smul.u32 @!p1 $0x380, s17  }
0x3b: {  	s31 =	sadd.s32 $0xFFFFFFFF, s13;
	s16 =	sor.u32 @!p1 s18, s16;
	s18 =	sxor.u32 @!p1 $0xFFFFFFFF, s13  }
0x3c: {  	s18 =	sshll.u32 @!p1 s18, $0xE;
	s17 =	sand.u32 @!p1 $0x3FFF, s17;
	s16 =	ssub.s32 @!p1 s16, s19  }
0x3d: {  	s17 =	smul.u32 @!p1 $0x70, s17;
	s19 =	sshrl.u32 @!p1 s16, $0x3;
	s16 =	sand.u32 @!p1 $0x7, s16  }
0x3e: {  	s18 =	sand.u32 @!p1 $0x4000, s18;
	s19 =	sadd.s32 @!p1 s6, s19;
	s16 =	sshll.u32 @!p1 s16, $0x12  }
0x3f: {  	s17 =	sadd.s32 @!p1 s17, s19;
	s16 =	sor.u32 @!p1 $0x400, s16;
	s19 =	simm.s32 @!p1 $0x1C00  }
0x40: {  	[tilespmem:s18], [sflag:$0x1] =	stream.strided.gather @!p1 [hbm4b:s17+s16], $0x4000, s19, s16, $0x38;
	[tilespmem:$0x10100] =	vst v63  }
0x41: {  	p1 =	sge.u32 s31, s5  }
.Ltmp2:
0x42: {  	_ = 	snop;
	(pc) =	sbr.rel @p1 .LBB1_5-.Ltmp2, $1  }
0x43: {  	_ =	sdelay $0x3  }
0x44: {  	s16 =	simm.s32 $0x1  }
0x45: {  	_ =	swait.ge [sflag:s4], $0x4000;
	s16 =	simm.s32 @!p0 $0x0  }
0x46: {  	[sflag:s4] =	ssyncset.done $0x0;
	s17 =	sshll.u32 s16, $0xE  }
0x47: {  	[sflag:s4] =	ssyncadd.s32 $0xFFFFC000;
	s17 =	sor.u32 $0x40, s17  }
0x48: {  	s16 =	smul.u32 $0x10200, s16;
	v0 =	vld [tilespmem:s17+$0x30]  }
0x49: {  	v1 =	vld [tilespmem:s17+$0xFFFFFFD0]  }
0x4a: {  	s16 =	sshrl.u32 s16, $0x2;
	v5 =	vld [tilespmem:s17+$0xFFFFFFE0]  }
0x4b: {  	v6 =	vld [tilespmem:s17+$0xFFFFFFF0];
	s19 =	sor.u32 $0x8000, s16  }
0x4c: {  	s31 =	sand.u32 $0x1, s13;
	v4 =	vld [tilespmem:s17+$0x0];
	s18 =	sadd.s32 $0x0, s19  }
0x4d: {  	v3 =	vld [tilespmem:s17+$0x10];
	s16 =	smul.u32 $0x10200, s31;
	[tilespmem:s18+$0x3870 ss:$0x81] =	vst.msk $0xffff, v0  }
0x4e: {  	v2 =	vld [tilespmem:s17+$0x20];
	[tilespmem:s18+$0x810 ss:$0x81] =	vst.msk $0xffff, v1  }
0x4f: {  	s16 =	sshrl.u32 s16, $0x2;
	v1 =	vld [tilespmem:s17+$0xFFFFFFC0];
	[tilespmem:s18+$0x1020 ss:$0x81] =	vst.msk $0xffff, v5;
	s17 =	sadd.s32 $0x80, s17  }
0x50: {  	s20 =	simm.s32 $0x4;
	s21 =	simm.s32 $0x8;
	s16 =	sor.u32 $0x8000, s16;
	[tilespmem:s18+$0x1830 ss:$0x81] =	vst.msk $0xffff, v6;
	v0 =	vld [tilespmem:s17+$0x30]  }
.LBB1_3:
0x51: {  	p1 =	sne.s32 s21, $0x1FC;
	v5 =	vld [tilespmem:s17+$0xFFFFFFD0];
	[tilespmem:s18+$0x2040 ss:$0x81] =	vst.msk $0xffff, v4  }
0x52: {  	v6 =	vld [tilespmem:s17+$0xFFFFFFE0];
	[tilespmem:s18+$0x2850 ss:$0x81] =	vst.msk $0xffff, v3  }
0x53: {  	s22 =	sshra.s32 s20, $0x2;
	s20 =	smov.u32 s21;
	v7 =	vld [tilespmem:s17+$0xFFFFFFF0];
	[tilespmem:s18+$0x3060 ss:$0x81] =	vst.msk $0xffff, v2  }
.Ltmp3:
0x54: {  	v4 =	vld [tilespmem:s17+$0x0];
	[tilespmem:s18+$0x0 ss:$0x81] =	vst.msk $0xffff, v1;
	s18 =	sadd.s32 s22, s19;
	(pc) =	sbr.rel @p1 .LBB1_3-.Ltmp3, $4  }
0x55: {  	v3 =	vld [tilespmem:s17+$0x10];
	[tilespmem:s18+$0x3870 ss:$0x81] =	vst.msk $0xffff, v0  }
0x56: {  	[tilespmem:s18+$0x810 ss:$0x81] =	vst.msk $0xffff, v5;
	v2 =	vld [tilespmem:s17+$0x20]  }
0x57: {  	v1 =	vld [tilespmem:s17+$0xFFFFFFC0];
	[tilespmem:s18+$0x1020 ss:$0x81] =	vst.msk $0xffff, v6;
	s17 =	sadd.s32 $0x80, s17  }
0x58: {  	s21 =	sadd.s32 $0x4, s21;
	v0 =	vld [tilespmem:s17+$0x30];
	[tilespmem:s18+$0x1830 ss:$0x81] =	vst.msk $0xffff, v7  }
.Ltmp4:
0x59: {  	_ = 	snop;
	(pc) =	sbr.rel .LBB1_4-.Ltmp4, $1  }
0x5a: {  	_ =	sdelay $0x3  }
.LBB1_6:
0x5b: {  	_ =	sfence.sel $0x180000  }
0x5c: {  	s2 =	simm.s32 $0x1;
	[bflag:$0x0] =	sbarrier.arrive $0xFFFF  }
0x5d: {  	s31 =	simm.s32 $0x2;
	[sflag:s2] =	ssyncpa.u1 $0x1  }
0x5e: {  	[sflag:s31] =	ssyncpa.u1 $0x1  }
0x5f: {  	p0 =	sne.s32 s0, $0x0;
	_ =	strace $0x9000004D  }
0x60: {  	s0 =	sadd.s32 @!p0 $0x100000, s1;
	[bflag:$0x2] =	sbarrier.arrive $0xFFFF  }
0x61: {  	[sflag:s0] =	ssyncadd.tile.s32 @!p0 $0x1;
	_ =	shalt  }
.Lfunc_end1:
_tile_overlayer_lowered:
.L_overlay_start_2:
0x62: {  	(tag) =	ssettag $0x2  }
0x63: {  	s0 =	rddreg [dreg:$0x0];
	s2 =	stileid.u32  }
0x64: {  	s1 =	rddreg [dreg:$0x1];
	p0 =	sne.s32 s2, $0x0  }
0x65: {  	s3 =	rddreg [dreg:$0x2];
	[bflag:$0x3] =	sbarrier.arrive $0xFFFF;
	s2 =	simm.s32 @!p0 $0x1C01  }
0x66: {  	[timem:s3], [sflag:s2] =	dma.local @!p0 [hbm:s0], s1  }
0x67: {  	s0 =	simm.s32 @!p0 $0x1  }
0x68: {  	_ =	swait.ge @!p0 [sflag:s0], s1  }
0x69: {  	s1 =	ssub.s32 @!p0 $0x0, s1;
	[sflag:s0] =	ssyncset.done @!p0 $0x0  }
0x6a: {  	[sflag:s0] =	ssyncadd.s32 @!p0 s1  }
0x6b: {  	[bflag:$0x3] =	sbarrier.arrive $0xFFFF  }
0x6c: {  	_ =	shalt  }

</sc_bundles>
